<compile_context>
chip_gen: v7x
topology: tpu7x:2x2x1
jax: 0.10.2.dev20260603
libtpu: 0.0.44.dev20260713+nightly
codegen_flags: <defaults>
</compile_context>

<pallas_src>
import functools
import jax
import jax.numpy as jnp
from jax import lax
from jax.experimental import pallas as pl
from jax.experimental.pallas import tpu as pltpu
from jax.experimental.pallas import tpu_sc as plsc

_ROWS = 4096
_COLS = 2048
_NW = 32
_B_CH = 2 * _ROWS // _NW
_CH = 16
_K = _B_CH // _CH
_NB = 3
_TILE = 1024

_mesh = plsc.VectorSubcoreMesh(core_axis_name="c", subcore_axis_name="s")


@functools.partial(
    pl.kernel,
    mesh=_mesh,
    out_type=jax.ShapeDtypeStruct((3 * _ROWS, _COLS), jnp.float32),
    scratch_types=(
        [pltpu.VMEM((_CH, _COLS), jnp.float32)] * _NB
        + [pltpu.SemaphoreType.DMA] * (2 * _NB)
    ),
)
def _sc_compact(x_hbm, o_hbm, *scratch):
    bufs = scratch[:_NB]
    isems = scratch[_NB:2 * _NB]
    osems = scratch[2 * _NB:]
    wid = lax.axis_index("c") * 16 + lax.axis_index("s")
    b_dst = _ROWS + wid * _B_CH
    b_src = 2 * _ROWS + wid * _B_CH

    def in_copy(k):
        s = k % _NB
        return pltpu.async_copy(
            x_hbm.at[pl.ds(b_src + k * _CH, _CH)], bufs[s], isems[s]
        )

    def out_copy(k):
        s = k % _NB
        return pltpu.async_copy(
            bufs[s], o_hbm.at[pl.ds(b_dst + k * _CH, _CH)], osems[s]
        )

    h_in = {k: in_copy(k) for k in range(min(_NB, _K))}
    h_out = {}
    for k in range(_K):
        h_in[k].wait()
        h_out[k] = out_copy(k)
        if k + _NB < _K:
            h_out[k].wait()
            h_in[k + _NB] = in_copy(k + _NB)
    for k in range(max(0, _K - _NB), _K):
        h_out[k].wait()


def _tc_identity_body(full_ref, x_ref, o_ref):
    del full_ref
    o_ref[...] = x_ref[...]


def _tc_fill_identity(full, x2):
    return pl.pallas_call(
        _tc_identity_body,
        out_shape=jax.ShapeDtypeStruct((3 * _ROWS, _COLS), jnp.float32),
        grid=(_ROWS // _TILE,),
        in_specs=[
            pl.BlockSpec(memory_space=pl.ANY),
            pl.BlockSpec((_TILE, _COLS), lambda i: (i, 0)),
        ],
        out_specs=pl.BlockSpec((_TILE, _COLS), lambda i: (i, 0)),
        input_output_aliases={0: 0},
    )(full, x2)


def kernel(x):
    x2 = x.reshape(5 * _ROWS, _COLS)
    full = _sc_compact(x2)
    out = _tc_fill_identity(full, x2)
    return out.reshape(3, _ROWS, _COLS)

# --- scband reference (transcript-rebuilt; emitter-appended) ---
"""Pipeline reference for scband-my-model-61933428411581 (READ-ONLY COPY).

The authoritative reference and input builder live on the scoring server;
editing this copy changes nothing except your own understanding.
"""

import jax, jax.numpy as jnp
import numpy as np


def setup_inputs(seed: int = 0) -> dict:
    key = jax.random.key(seed)
    x = jax.random.normal(key, (5, 4096, 2048), dtype=jnp.float32)
    return {"x": x}


def reference(x):
    # bool_mask = [True, False, True, True, False] -> selects rows 0, 2, 3
    mask = jnp.array([True, False, True, True, False])
    idx = jnp.nonzero(mask, size=3)[0]
    return jnp.take(x, idx, axis=0)

if __name__ == "__main__":
    import jax
    _d = setup_inputs()
    print(jax.jit(kernel)(*tuple(_d.values())))

</pallas_src>

<mosaic_0001>
#map = affine_map<(d0, d1) -> (0, 0)>
module attributes {stable_mosaic.version = 14 : i64} {
  func.func @_sc_compact(%arg0: i32, %arg1: i32, %arg2: memref<20480x2048xf32, #tpu.memory_space<hbm>>, %arg3: memref<12288x2048xf32, #tpu.memory_space<hbm>>, %arg4: memref<16x2048xf32, #tpu.memory_space<vmem>>, %arg5: memref<16x2048xf32, #tpu.memory_space<vmem>>, %arg6: memref<16x2048xf32, #tpu.memory_space<vmem>>, %arg7: memref<!tpu.dma_semaphore, #tpu.memory_space<semaphore_mem>>, %arg8: memref<!tpu.dma_semaphore, #tpu.memory_space<semaphore_mem>>, %arg9: memref<!tpu.dma_semaphore, #tpu.memory_space<semaphore_mem>>, %arg10: memref<!tpu.dma_semaphore, #tpu.memory_space<semaphore_mem>>, %arg11: memref<!tpu.dma_semaphore, #tpu.memory_space<semaphore_mem>>, %arg12: memref<!tpu.dma_semaphore, #tpu.memory_space<semaphore_mem>>) attributes {dimension_semantics = [#tpu.dimension_semantics<core_parallel>, #tpu.dimension_semantics<subcore_parallel>], iteration_bounds = array<i64: 2, 16>, scalar_prefetch = 0 : i64, scratch_operands = 9 : i64, tpu.core_type = #tpu.core_type<sc_vector_subcore>, window_params = [{transform_indices = #map}, {transform_indices = #map}]} {
    %mul3A = arith.constant 16 : i32
    %mul3A_0 = arith.muli %arg0, %mul3A : i32
    %add3A = arith.addi %mul3A_0, %arg1 : i32
    %mul3A_1 = arith.constant 256 : i32
    %mul3A_2 = arith.muli %add3A, %mul3A_1 : i32
    %add3A_3 = arith.constant 4096 : i32
    %add3A_4 = arith.addi %add3A_3, %mul3A_2 : i32
    %mul3A_5 = arith.constant 256 : i32
    %mul3A_6 = arith.muli %add3A, %mul3A_5 : i32
    %add3A_7 = arith.constant 8192 : i32
    %add3A_8 = arith.addi %add3A_7, %mul3A_6 : i32
    %add3A_9 = arith.constant 0 : i32
    %add3A_10 = arith.addi %add3A_8, %add3A_9 : i32
    %dma_start3A = arith.constant 0 : i32
    %dma_start3A_11 = tpu.memref_slice %arg2[%add3A_10, %dma_start3A] : memref<20480x2048xf32, #tpu.memory_space<hbm>> -> memref<16x2048xf32, #tpu.memory_space<hbm>>
    %dma_start3A_12 = arith.constant 0 : i32
    %dma_start3A_13 = tpu.memref_slice %arg2[%add3A_10, %dma_start3A_12] : memref<20480x2048xf32, #tpu.memory_space<hbm>> -> memref<16x2048xf32, #tpu.memory_space<hbm>>
    tpu.enqueue_dma source(%dma_start3A_13 : memref<16x2048xf32, #tpu.memory_space<hbm>>) target(%arg4 : memref<16x2048xf32, #tpu.memory_space<vmem>>) target_semaphore(%arg7 : memref<!tpu.dma_semaphore, #tpu.memory_space<semaphore_mem>>)
    %add3A_14 = arith.constant 16 : i32
    %add3A_15 = arith.addi %add3A_8, %add3A_14 : i32
    %dma_start3A_16 = arith.constant 0 : i32
    %dma_start3A_17 = tpu.memref_slice %arg2[%add3A_15, %dma_start3A_16] : memref<20480x2048xf32, #tpu.memory_space<hbm>> -> memref<16x2048xf32, #tpu.memory_space<hbm>>
    %dma_start3A_18 = arith.constant 0 : i32
    %dma_start3A_19 = tpu.memref_slice %arg2[%add3A_15, %dma_start3A_18] : memref<20480x2048xf32, #tpu.memory_space<hbm>> -> memref<16x2048xf32, #tpu.memory_space<hbm>>
    tpu.enqueue_dma source(%dma_start3A_19 : memref<16x2048xf32, #tpu.memory_space<hbm>>) target(%arg5 : memref<16x2048xf32, #tpu.memory_space<vmem>>) target_semaphore(%arg8 : memref<!tpu.dma_semaphore, #tpu.memory_space<semaphore_mem>>)
    %add3A_20 = arith.constant 32 : i32
    %add3A_21 = arith.addi %add3A_8, %add3A_20 : i32
    %dma_start3A_22 = arith.constant 0 : i32
    %dma_start3A_23 = tpu.memref_slice %arg2[%add3A_21, %dma_start3A_22] : memref<20480x2048xf32, #tpu.memory_space<hbm>> -> memref<16x2048xf32, #tpu.memory_space<hbm>>
    %dma_start3A_24 = arith.constant 0 : i32
    %dma_start3A_25 = tpu.memref_slice %arg2[%add3A_21, %dma_start3A_24] : memref<20480x2048xf32, #tpu.memory_space<hbm>> -> memref<16x2048xf32, #tpu.memory_space<hbm>>
    tpu.enqueue_dma source(%dma_start3A_25 : memref<16x2048xf32, #tpu.memory_space<hbm>>) target(%arg6 : memref<16x2048xf32, #tpu.memory_space<vmem>>) target_semaphore(%arg9 : memref<!tpu.dma_semaphore, #tpu.memory_space<semaphore_mem>>)
    %dma_wait3A = arith.constant 0 : i32
    %dma_wait3A_26 = tpu.memref_slice %arg2[%add3A_10, %dma_wait3A] : memref<20480x2048xf32, #tpu.memory_space<hbm>> -> memref<16x2048xf32, #tpu.memory_space<hbm>>
    %dma_wait3A_27 = arith.constant 0 : i32
    %dma_wait3A_28 = tpu.memref_slice %arg2[%add3A_10, %dma_wait3A_27] : memref<20480x2048xf32, #tpu.memory_space<hbm>> -> memref<16x2048xf32, #tpu.memory_space<hbm>>
    tpu.wait_dma2 semaphore(%arg7 : memref<!tpu.dma_semaphore, #tpu.memory_space<semaphore_mem>>) src(%dma_wait3A_28 : memref<16x2048xf32, #tpu.memory_space<hbm>>) dst(%arg4 : memref<16x2048xf32, #tpu.memory_space<vmem>>)
    %add3A_29 = arith.constant 0 : i32
    %add3A_30 = arith.addi %add3A_4, %add3A_29 : i32
    %dma_start3A_31 = arith.constant 0 : i32
    %dma_start3A_32 = tpu.memref_slice %arg3[%add3A_30, %dma_start3A_31] : memref<12288x2048xf32, #tpu.memory_space<hbm>> -> memref<16x2048xf32, #tpu.memory_space<hbm>>
    %dma_start3A_33 = arith.constant 0 : i32
    %dma_start3A_34 = tpu.memref_slice %arg3[%add3A_30, %dma_start3A_33] : memref<12288x2048xf32, #tpu.memory_space<hbm>> -> memref<16x2048xf32, #tpu.memory_space<hbm>>
    tpu.enqueue_dma source(%arg4 : memref<16x2048xf32, #tpu.memory_space<vmem>>) target(%dma_start3A_34 : memref<16x2048xf32, #tpu.memory_space<hbm>>) target_semaphore(%arg10 : memref<!tpu.dma_semaphore, #tpu.memory_space<semaphore_mem>>)
    %dma_wait3A_35 = arith.constant 0 : i32
    %dma_wait3A_36 = tpu.memref_slice %arg3[%add3A_30, %dma_wait3A_35] : memref<12288x2048xf32, #tpu.memory_space<hbm>> -> memref<16x2048xf32, #tpu.memory_space<hbm>>
    %dma_wait3A_37 = arith.constant 0 : i32
    %dma_wait3A_38 = tpu.memref_slice %arg3[%add3A_30, %dma_wait3A_37] : memref<12288x2048xf32, #tpu.memory_space<hbm>> -> memref<16x2048xf32, #tpu.memory_space<hbm>>
    tpu.wait_dma2 semaphore(%arg10 : memref<!tpu.dma_semaphore, #tpu.memory_space<semaphore_mem>>) src(%arg4 : memref<16x2048xf32, #tpu.memory_space<vmem>>) dst(%dma_wait3A_38 : memref<16x2048xf32, #tpu.memory_space<hbm>>)
    %add3A_39 = arith.constant 48 : i32
    %add3A_40 = arith.addi %add3A_8, %add3A_39 : i32
    %dma_start3A_41 = arith.constant 0 : i32
    %dma_start3A_42 = tpu.memref_slice %arg2[%add3A_40, %dma_start3A_41] : memref<20480x2048xf32, #tpu.memory_space<hbm>> -> memref<16x2048xf32, #tpu.memory_space<hbm>>
    %dma_start3A_43 = arith.constant 0 : i32
    %dma_start3A_44 = tpu.memref_slice %arg2[%add3A_40, %dma_start3A_43] : memref<20480x2048xf32, #tpu.memory_space<hbm>> -> memref<16x2048xf32, #tpu.memory_space<hbm>>
    tpu.enqueue_dma source(%dma_start3A_44 : memref<16x2048xf32, #tpu.memory_space<hbm>>) target(%arg4 : memref<16x2048xf32, #tpu.memory_space<vmem>>) target_semaphore(%arg7 : memref<!tpu.dma_semaphore, #tpu.memory_space<semaphore_mem>>)
    %dma_wait3A_45 = arith.constant 0 : i32
    %dma_wait3A_46 = tpu.memref_slice %arg2[%add3A_15, %dma_wait3A_45] : memref<20480x2048xf32, #tpu.memory_space<hbm>> -> memref<16x2048xf32, #tpu.memory_space<hbm>>
    %dma_wait3A_47 = arith.constant 0 : i32
    %dma_wait3A_48 = tpu.memref_slice %arg2[%add3A_15, %dma_wait3A_47] : memref<20480x2048xf32, #tpu.memory_space<hbm>> -> memref<16x2048xf32, #tpu.memory_space<hbm>>
    tpu.wait_dma2 semaphore(%arg8 : memref<!tpu.dma_semaphore, #tpu.memory_space<semaphore_mem>>) src(%dma_wait3A_48 : memref<16x2048xf32, #tpu.memory_space<hbm>>) dst(%arg5 : memref<16x2048xf32, #tpu.memory_space<vmem>>)
    %add3A_49 = arith.constant 16 : i32
    %add3A_50 = arith.addi %add3A_4, %add3A_49 : i32
    %dma_start3A_51 = arith.constant 0 : i32
    %dma_start3A_52 = tpu.memref_slice %arg3[%add3A_50, %dma_start3A_51] : memref<12288x2048xf32, #tpu.memory_space<hbm>> -> memref<16x2048xf32, #tpu.memory_space<hbm>>
    %dma_start3A_53 = arith.constant 0 : i32
    %dma_start3A_54 = tpu.memref_slice %arg3[%add3A_50, %dma_start3A_53] : memref<12288x2048xf32, #tpu.memory_space<hbm>> -> memref<16x2048xf32, #tpu.memory_space<hbm>>
    tpu.enqueue_dma source(%arg5 : memref<16x2048xf32, #tpu.memory_space<vmem>>) target(%dma_start3A_54 : memref<16x2048xf32, #tpu.memory_space<hbm>>) target_semaphore(%arg11 : memref<!tpu.dma_semaphore, #tpu.memory_space<semaphore_mem>>)
    %dma_wait3A_55 = arith.constant 0 : i32
    %dma_wait3A_56 = tpu.memref_slice %arg3[%add3A_50, %dma_wait3A_55] : memref<12288x2048xf32, #tpu.memory_space<hbm>> -> memref<16x2048xf32, #tpu.memory_space<hbm>>
    %dma_wait3A_57 = arith.constant 0 : i32
    %dma_wait3A_58 = tpu.memref_slice %arg3[%add3A_50, %dma_wait3A_57] : memref<12288x2048xf32, #tpu.memory_space<hbm>> -> memref<16x2048xf32, #tpu.memory_space<hbm>>
    tpu.wait_dma2 semaphore(%arg11 : memref<!tpu.dma_semaphore, #tpu.memory_space<semaphore_mem>>) src(%arg5 : memref<16x2048xf32, #tpu.memory_space<vmem>>) dst(%dma_wait3A_58 : memref<16x2048xf32, #tpu.memory_space<hbm>>)
    %add3A_59 = arith.constant 64 : i32
    %add3A_60 = arith.addi %add3A_8, %add3A_59 : i32
    %dma_start3A_61 = arith.constant 0 : i32
    %dma_start3A_62 = tpu.memref_slice %arg2[%add3A_60, %dma_start3A_61] : memref<20480x2048xf32, #tpu.memory_space<hbm>> -> memref<16x2048xf32, #tpu.memory_space<hbm>>
    %dma_start3A_63 = arith.constant 0 : i32
    %dma_start3A_64 = tpu.memref_slice %arg2[%add3A_60, %dma_start3A_63] : memref<20480x2048xf32, #tpu.memory_space<hbm>> -> memref<16x2048xf32, #tpu.memory_space<hbm>>
    tpu.enqueue_dma source(%dma_start3A_64 : memref<16x2048xf32, #tpu.memory_space<hbm>>) target(%arg5 : memref<16x2048xf32, #tpu.memory_space<vmem>>) target_semaphore(%arg8 : memref<!tpu.dma_semaphore, #tpu.memory_space<semaphore_mem>>)
    %dma_wait3A_65 = arith.constant 0 : i32
    %dma_wait3A_66 = tpu.memref_slice %arg2[%add3A_21, %dma_wait3A_65] : memref<20480x2048xf32, #tpu.memory_space<hbm>> -> memref<16x2048xf32, #tpu.memory_space<hbm>>
    %dma_wait3A_67 = arith.constant 0 : i32
    %dma_wait3A_68 = tpu.memref_slice %arg2[%add3A_21, %dma_wait3A_67] : memref<20480x2048xf32, #tpu.memory_space<hbm>> -> memref<16x2048xf32, #tpu.memory_space<hbm>>
    tpu.wait_dma2 semaphore(%arg9 : memref<!tpu.dma_semaphore, #tpu.memory_space<semaphore_mem>>) src(%dma_wait3A_68 : memref<16x2048xf32, #tpu.memory_space<hbm>>) dst(%arg6 : memref<16x2048xf32, #tpu.memory_space<vmem>>)
    %add3A_69 = arith.constant 32 : i32
    %add3A_70 = arith.addi %add3A_4, %add3A_69 : i32
    %dma_start3A_71 = arith.constant 0 : i32
    %dma_start3A_72 = tpu.memref_slice %arg3[%add3A_70, %dma_start3A_71] : memref<12288x2048xf32, #tpu.memory_space<hbm>> -> memref<16x2048xf32, #tpu.memory_space<hbm>>
    %dma_start3A_73 = arith.constant 0 : i32
    %dma_start3A_74 = tpu.memref_slice %arg3[%add3A_70, %dma_start3A_73] : memref<12288x2048xf32, #tpu.memory_space<hbm>> -> memref<16x2048xf32, #tpu.memory_space<hbm>>
    tpu.enqueue_dma source(%arg6 : memref<16x2048xf32, #tpu.memory_space<vmem>>) target(%dma_start3A_74 : memref<16x2048xf32, #tpu.memory_space<hbm>>) target_semaphore(%arg12 : memref<!tpu.dma_semaphore, #tpu.memory_space<semaphore_mem>>)
    %dma_wait3A_75 = arith.constant 0 : i32
    %dma_wait3A_76 = tpu.memref_slice %arg3[%add3A_70, %dma_wait3A_75] : memref<12288x2048xf32, #tpu.memory_space<hbm>> -> memref<16x2048xf32, #tpu.memory_space<hbm>>
    %dma_wait3A_77 = arith.constant 0 : i32
    %dma_wait3A_78 = tpu.memref_slice %arg3[%add3A_70, %dma_wait3A_77] : memref<12288x2048xf32, #tpu.memory_space<hbm>> -> memref<16x2048xf32, #tpu.memory_space<hbm>>
    tpu.wait_dma2 semaphore(%arg12 : memref<!tpu.dma_semaphore, #tpu.memory_space<semaphore_mem>>) src(%arg6 : memref<16x2048xf32, #tpu.memory_space<vmem>>) dst(%dma_wait3A_78 : memref<16x2048xf32, #tpu.memory_space<hbm>>)
    %add3A_79 = arith.constant 80 : i32
    %add3A_80 = arith.addi %add3A_8, %add3A_79 : i32
    %dma_start3A_81 = arith.constant 0 : i32
    %dma_start3A_82 = tpu.memref_slice %arg2[%add3A_80, %dma_start3A_81] : memref<20480x2048xf32, #tpu.memory_space<hbm>> -> memref<16x2048xf32, #tpu.memory_space<hbm>>
    %dma_start3A_83 = arith.constant 0 : i32
    %dma_start3A_84 = tpu.memref_slice %arg2[%add3A_80, %dma_start3A_83] : memref<20480x2048xf32, #tpu.memory_space<hbm>> -> memref<16x2048xf32, #tpu.memory_space<hbm>>
    tpu.enqueue_dma source(%dma_start3A_84 : memref<16x2048xf32, #tpu.memory_space<hbm>>) target(%arg6 : memref<16x2048xf32, #tpu.memory_space<vmem>>) target_semaphore(%arg9 : memref<!tpu.dma_semaphore, #tpu.memory_space<semaphore_mem>>)
    %dma_wait3A_85 = arith.constant 0 : i32
    %dma_wait3A_86 = tpu.memref_slice %arg2[%add3A_40, %dma_wait3A_85] : memref<20480x2048xf32, #tpu.memory_space<hbm>> -> memref<16x2048xf32, #tpu.memory_space<hbm>>
    %dma_wait3A_87 = arith.constant 0 : i32
    %dma_wait3A_88 = tpu.memref_slice %arg2[%add3A_40, %dma_wait3A_87] : memref<20480x2048xf32, #tpu.memory_space<hbm>> -> memref<16x2048xf32, #tpu.memory_space<hbm>>
    tpu.wait_dma2 semaphore(%arg7 : memref<!tpu.dma_semaphore, #tpu.memory_space<semaphore_mem>>) src(%dma_wait3A_88 : memref<16x2048xf32, #tpu.memory_space<hbm>>) dst(%arg4 : memref<16x2048xf32, #tpu.memory_space<vmem>>)
    %add3A_89 = arith.constant 48 : i32
    %add3A_90 = arith.addi %add3A_4, %add3A_89 : i32
    %dma_start3A_91 = arith.constant 0 : i32
    %dma_start3A_92 = tpu.memref_slice %arg3[%add3A_90, %dma_start3A_91] : memref<12288x2048xf32, #tpu.memory_space<hbm>> -> memref<16x2048xf32, #tpu.memory_space<hbm>>
    %dma_start3A_93 = arith.constant 0 : i32
    %dma_start3A_94 = tpu.memref_slice %arg3[%add3A_90, %dma_start3A_93] : memref<12288x2048xf32, #tpu.memory_space<hbm>> -> memref<16x2048xf32, #tpu.memory_space<hbm>>
    tpu.enqueue_dma source(%arg4 : memref<16x2048xf32, #tpu.memory_space<vmem>>) target(%dma_start3A_94 : memref<16x2048xf32, #tpu.memory_space<hbm>>) target_semaphore(%arg10 : memref<!tpu.dma_semaphore, #tpu.memory_space<semaphore_mem>>)
    %dma_wait3A_95 = arith.constant 0 : i32
    %dma_wait3A_96 = tpu.memref_slice %arg3[%add3A_90, %dma_wait3A_95] : memref<12288x2048xf32, #tpu.memory_space<hbm>> -> memref<16x2048xf32, #tpu.memory_space<hbm>>
    %dma_wait3A_97 = arith.constant 0 : i32
    %dma_wait3A_98 = tpu.memref_slice %arg3[%add3A_90, %dma_wait3A_97] : memref<12288x2048xf32, #tpu.memory_space<hbm>> -> memref<16x2048xf32, #tpu.memory_space<hbm>>
    tpu.wait_dma2 semaphore(%arg10 : memref<!tpu.dma_semaphore, #tpu.memory_space<semaphore_mem>>) src(%arg4 : memref<16x2048xf32, #tpu.memory_space<vmem>>) dst(%dma_wait3A_98 : memref<16x2048xf32, #tpu.memory_space<hbm>>)
    %add3A_99 = arith.constant 96 : i32
    %add3A_100 = arith.addi %add3A_8, %add3A_99 : i32
    %dma_start3A_101 = arith.constant 0 : i32
    %dma_start3A_102 = tpu.memref_slice %arg2[%add3A_100, %dma_start3A_101] : memref<20480x2048xf32, #tpu.memory_space<hbm>> -> memref<16x2048xf32, #tpu.memory_space<hbm>>
    %dma_start3A_103 = arith.constant 0 : i32
    %dma_start3A_104 = tpu.memref_slice %arg2[%add3A_100, %dma_start3A_103] : memref<20480x2048xf32, #tpu.memory_space<hbm>> -> memref<16x2048xf32, #tpu.memory_space<hbm>>
    tpu.enqueue_dma source(%dma_start3A_104 : memref<16x2048xf32, #tpu.memory_space<hbm>>) target(%arg4 : memref<16x2048xf32, #tpu.memory_space<vmem>>) target_semaphore(%arg7 : memref<!tpu.dma_semaphore, #tpu.memory_space<semaphore_mem>>)
    %dma_wait3A_105 = arith.constant 0 : i32
    %dma_wait3A_106 = tpu.memref_slice %arg2[%add3A_60, %dma_wait3A_105] : memref<20480x2048xf32, #tpu.memory_space<hbm>> -> memref<16x2048xf32, #tpu.memory_space<hbm>>
    %dma_wait3A_107 = arith.constant 0 : i32
    %dma_wait3A_108 = tpu.memref_slice %arg2[%add3A_60, %dma_wait3A_107] : memref<20480x2048xf32, #tpu.memory_space<hbm>> -> memref<16x2048xf32, #tpu.memory_space<hbm>>
    tpu.wait_dma2 semaphore(%arg8 : memref<!tpu.dma_semaphore, #tpu.memory_space<semaphore_mem>>) src(%dma_wait3A_108 : memref<16x2048xf32, #tpu.memory_space<hbm>>) dst(%arg5 : memref<16x2048xf32, #tpu.memory_space<vmem>>)
    %add3A_109 = arith.constant 64 : i32
    %add3A_110 = arith.addi %add3A_4, %add3A_109 : i32
    %dma_start3A_111 = arith.constant 0 : i32
    %dma_start3A_112 = tpu.memref_slice %arg3[%add3A_110, %dma_start3A_111] : memref<12288x2048xf32, #tpu.memory_space<hbm>> -> memref<16x2048xf32, #tpu.memory_space<hbm>>
    %dma_start3A_113 = arith.constant 0 : i32
    %dma_start3A_114 = tpu.memref_slice %arg3[%add3A_110, %dma_start3A_113] : memref<12288x2048xf32, #tpu.memory_space<hbm>> -> memref<16x2048xf32, #tpu.memory_space<hbm>>
    tpu.enqueue_dma source(%arg5 : memref<16x2048xf32, #tpu.memory_space<vmem>>) target(%dma_start3A_114 : memref<16x2048xf32, #tpu.memory_space<hbm>>) target_semaphore(%arg11 : memref<!tpu.dma_semaphore, #tpu.memory_space<semaphore_mem>>)
    %dma_wait3A_115 = arith.constant 0 : i32
    %dma_wait3A_116 = tpu.memref_slice %arg3[%add3A_110, %dma_wait3A_115] : memref<12288x2048xf32, #tpu.memory_space<hbm>> -> memref<16x2048xf32, #tpu.memory_space<hbm>>
    %dma_wait3A_117 = arith.constant 0 : i32
    %dma_wait3A_118 = tpu.memref_slice %arg3[%add3A_110, %dma_wait3A_117] : memref<12288x2048xf32, #tpu.memory_space<hbm>> -> memref<16x2048xf32, #tpu.memory_space<hbm>>
    tpu.wait_dma2 semaphore(%arg11 : memref<!tpu.dma_semaphore, #tpu.memory_space<semaphore_mem>>) src(%arg5 : memref<16x2048xf32, #tpu.memory_space<vmem>>) dst(%dma_wait3A_118 : memref<16x2048xf32, #tpu.memory_space<hbm>>)
    %add3A_119 = arith.constant 112 : i32
    %add3A_120 = arith.addi %add3A_8, %add3A_119 : i32
    %dma_start3A_121 = arith.constant 0 : i32
    %dma_start3A_122 = tpu.memref_slice %arg2[%add3A_120, %dma_start3A_121] : memref<20480x2048xf32, #tpu.memory_space<hbm>> -> memref<16x2048xf32, #tpu.memory_space<hbm>>
    %dma_start3A_123 = arith.constant 0 : i32
    %dma_start3A_124 = tpu.memref_slice %arg2[%add3A_120, %dma_start3A_123] : memref<20480x2048xf32, #tpu.memory_space<hbm>> -> memref<16x2048xf32, #tpu.memory_space<hbm>>
    tpu.enqueue_dma source(%dma_start3A_124 : memref<16x2048xf32, #tpu.memory_space<hbm>>) target(%arg5 : memref<16x2048xf32, #tpu.memory_space<vmem>>) target_semaphore(%arg8 : memref<!tpu.dma_semaphore, #tpu.memory_space<semaphore_mem>>)
    %dma_wait3A_125 = arith.constant 0 : i32
    %dma_wait3A_126 = tpu.memref_slice %arg2[%add3A_80, %dma_wait3A_125] : memref<20480x2048xf32, #tpu.memory_space<hbm>> -> memref<16x2048xf32, #tpu.memory_space<hbm>>
    %dma_wait3A_127 = arith.constant 0 : i32
    %dma_wait3A_128 = tpu.memref_slice %arg2[%add3A_80, %dma_wait3A_127] : memref<20480x2048xf32, #tpu.memory_space<hbm>> -> memref<16x2048xf32, #tpu.memory_space<hbm>>
    tpu.wait_dma2 semaphore(%arg9 : memref<!tpu.dma_semaphore, #tpu.memory_space<semaphore_mem>>) src(%dma_wait3A_128 : memref<16x2048xf32, #tpu.memory_space<hbm>>) dst(%arg6 : memref<16x2048xf32, #tpu.memory_space<vmem>>)
    %add3A_129 = arith.constant 80 : i32
    %add3A_130 = arith.addi %add3A_4, %add3A_129 : i32
    %dma_start3A_131 = arith.constant 0 : i32
    %dma_start3A_132 = tpu.memref_slice %arg3[%add3A_130, %dma_start3A_131] : memref<12288x2048xf32, #tpu.memory_space<hbm>> -> memref<16x2048xf32, #tpu.memory_space<hbm>>
    %dma_start3A_133 = arith.constant 0 : i32
    %dma_start3A_134 = tpu.memref_slice %arg3[%add3A_130, %dma_start3A_133] : memref<12288x2048xf32, #tpu.memory_space<hbm>> -> memref<16x2048xf32, #tpu.memory_space<hbm>>
    tpu.enqueue_dma source(%arg6 : memref<16x2048xf32, #tpu.memory_space<vmem>>) target(%dma_start3A_134 : memref<16x2048xf32, #tpu.memory_space<hbm>>) target_semaphore(%arg12 : memref<!tpu.dma_semaphore, #tpu.memory_space<semaphore_mem>>)
    %dma_wait3A_135 = arith.constant 0 : i32
    %dma_wait3A_136 = tpu.memref_slice %arg3[%add3A_130, %dma_wait3A_135] : memref<12288x2048xf32, #tpu.memory_space<hbm>> -> memref<16x2048xf32, #tpu.memory_space<hbm>>
    %dma_wait3A_137 = arith.constant 0 : i32
    %dma_wait3A_138 = tpu.memref_slice %arg3[%add3A_130, %dma_wait3A_137] : memref<12288x2048xf32, #tpu.memory_space<hbm>> -> memref<16x2048xf32, #tpu.memory_space<hbm>>
    tpu.wait_dma2 semaphore(%arg12 : memref<!tpu.dma_semaphore, #tpu.memory_space<semaphore_mem>>) src(%arg6 : memref<16x2048xf32, #tpu.memory_space<vmem>>) dst(%dma_wait3A_138 : memref<16x2048xf32, #tpu.memory_space<hbm>>)
    %add3A_139 = arith.constant 128 : i32
    %add3A_140 = arith.addi %add3A_8, %add3A_139 : i32
    %dma_start3A_141 = arith.constant 0 : i32
    %dma_start3A_142 = tpu.memref_slice %arg2[%add3A_140, %dma_start3A_141] : memref<20480x2048xf32, #tpu.memory_space<hbm>> -> memref<16x2048xf32, #tpu.memory_space<hbm>>
    %dma_start3A_143 = arith.constant 0 : i32
    %dma_start3A_144 = tpu.memref_slice %arg2[%add3A_140, %dma_start3A_143] : memref<20480x2048xf32, #tpu.memory_space<hbm>> -> memref<16x2048xf32, #tpu.memory_space<hbm>>
    tpu.enqueue_dma source(%dma_start3A_144 : memref<16x2048xf32, #tpu.memory_space<hbm>>) target(%arg6 : memref<16x2048xf32, #tpu.memory_space<vmem>>) target_semaphore(%arg9 : memref<!tpu.dma_semaphore, #tpu.memory_space<semaphore_mem>>)
    %dma_wait3A_145 = arith.constant 0 : i32
    %dma_wait3A_146 = tpu.memref_slice %arg2[%add3A_100, %dma_wait3A_145] : memref<20480x2048xf32, #tpu.memory_space<hbm>> -> memref<16x2048xf32, #tpu.memory_space<hbm>>
    %dma_wait3A_147 = arith.constant 0 : i32
    %dma_wait3A_148 = tpu.memref_slice %arg2[%add3A_100, %dma_wait3A_147] : memref<20480x2048xf32, #tpu.memory_space<hbm>> -> memref<16x2048xf32, #tpu.memory_space<hbm>>
    tpu.wait_dma2 semaphore(%arg7 : memref<!tpu.dma_semaphore, #tpu.memory_space<semaphore_mem>>) src(%dma_wait3A_148 : memref<16x2048xf32, #tpu.memory_space<hbm>>) dst(%arg4 : memref<16x2048xf32, #tpu.memory_space<vmem>>)
    %add3A_149 = arith.constant 96 : i32
    %add3A_150 = arith.addi %add3A_4, %add3A_149 : i32
    %dma_start3A_151 = arith.constant 0 : i32
    %dma_start3A_152 = tpu.memref_slice %arg3[%add3A_150, %dma_start3A_151] : memref<12288x2048xf32, #tpu.memory_space<hbm>> -> memref<16x2048xf32, #tpu.memory_space<hbm>>
    %dma_start3A_153 = arith.constant 0 : i32
    %dma_start3A_154 = tpu.memref_slice %arg3[%add3A_150, %dma_start3A_153] : memref<12288x2048xf32, #tpu.memory_space<hbm>> -> memref<16x2048xf32, #tpu.memory_space<hbm>>
    tpu.enqueue_dma source(%arg4 : memref<16x2048xf32, #tpu.memory_space<vmem>>) target(%dma_start3A_154 : memref<16x2048xf32, #tpu.memory_space<hbm>>) target_semaphore(%arg10 : memref<!tpu.dma_semaphore, #tpu.memory_space<semaphore_mem>>)
    %dma_wait3A_155 = arith.constant 0 : i32
    %dma_wait3A_156 = tpu.memref_slice %arg3[%add3A_150, %dma_wait3A_155] : memref<12288x2048xf32, #tpu.memory_space<hbm>> -> memref<16x2048xf32, #tpu.memory_space<hbm>>
    %dma_wait3A_157 = arith.constant 0 : i32
    %dma_wait3A_158 = tpu.memref_slice %arg3[%add3A_150, %dma_wait3A_157] : memref<12288x2048xf32, #tpu.memory_space<hbm>> -> memref<16x2048xf32, #tpu.memory_space<hbm>>
    tpu.wait_dma2 semaphore(%arg10 : memref<!tpu.dma_semaphore, #tpu.memory_space<semaphore_mem>>) src(%arg4 : memref<16x2048xf32, #tpu.memory_space<vmem>>) dst(%dma_wait3A_158 : memref<16x2048xf32, #tpu.memory_space<hbm>>)
    %add3A_159 = arith.constant 144 : i32
    %add3A_160 = arith.addi %add3A_8, %add3A_159 : i32
    %dma_start3A_161 = arith.constant 0 : i32
    %dma_start3A_162 = tpu.memref_slice %arg2[%add3A_160, %dma_start3A_161] : memref<20480x2048xf32, #tpu.memory_space<hbm>> -> memref<16x2048xf32, #tpu.memory_space<hbm>>
    %dma_start3A_163 = arith.constant 0 : i32
    %dma_start3A_164 = tpu.memref_slice %arg2[%add3A_160, %dma_start3A_163] : memref<20480x2048xf32, #tpu.memory_space<hbm>> -> memref<16x2048xf32, #tpu.memory_space<hbm>>
    tpu.enqueue_dma source(%dma_start3A_164 : memref<16x2048xf32, #tpu.memory_space<hbm>>) target(%arg4 : memref<16x2048xf32, #tpu.memory_space<vmem>>) target_semaphore(%arg7 : memref<!tpu.dma_semaphore, #tpu.memory_space<semaphore_mem>>)
    %dma_wait3A_165 = arith.constant 0 : i32
    %dma_wait3A_166 = tpu.memref_slice %arg2[%add3A_120, %dma_wait3A_165] : memref<20480x2048xf32, #tpu.memory_space<hbm>> -> memref<16x2048xf32, #tpu.memory_space<hbm>>
    %dma_wait3A_167 = arith.constant 0 : i32
    %dma_wait3A_168 = tpu.memref_slice %arg2[%add3A_120, %dma_wait3A_167] : memref<20480x2048xf32, #tpu.memory_space<hbm>> -> memref<16x2048xf32, #tpu.memory_space<hbm>>
    tpu.wait_dma2 semaphore(%arg8 : memref<!tpu.dma_semaphore, #tpu.memory_space<semaphore_mem>>) src(%dma_wait3A_168 : memref<16x2048xf32, #tpu.memory_space<hbm>>) dst(%arg5 : memref<16x2048xf32, #tpu.memory_space<vmem>>)
    %add3A_169 = arith.constant 112 : i32
    %add3A_170 = arith.addi %add3A_4, %add3A_169 : i32
    %dma_start3A_171 = arith.constant 0 : i32
    %dma_start3A_172 = tpu.memref_slice %arg3[%add3A_170, %dma_start3A_171] : memref<12288x2048xf32, #tpu.memory_space<hbm>> -> memref<16x2048xf32, #tpu.memory_space<hbm>>
    %dma_start3A_173 = arith.constant 0 : i32
    %dma_start3A_174 = tpu.memref_slice %arg3[%add3A_170, %dma_start3A_173] : memref<12288x2048xf32, #tpu.memory_space<hbm>> -> memref<16x2048xf32, #tpu.memory_space<hbm>>
    tpu.enqueue_dma source(%arg5 : memref<16x2048xf32, #tpu.memory_space<vmem>>) target(%dma_start3A_174 : memref<16x2048xf32, #tpu.memory_space<hbm>>) target_semaphore(%arg11 : memref<!tpu.dma_semaphore, #tpu.memory_space<semaphore_mem>>)
    %dma_wait3A_175 = arith.constant 0 : i32
    %dma_wait3A_176 = tpu.memref_slice %arg3[%add3A_170, %dma_wait3A_175] : memref<12288x2048xf32, #tpu.memory_space<hbm>> -> memref<16x2048xf32, #tpu.memory_space<hbm>>
    %dma_wait3A_177 = arith.constant 0 : i32
    %dma_wait3A_178 = tpu.memref_slice %arg3[%add3A_170, %dma_wait3A_177] : memref<12288x2048xf32, #tpu.memory_space<hbm>> -> memref<16x2048xf32, #tpu.memory_space<hbm>>
    tpu.wait_dma2 semaphore(%arg11 : memref<!tpu.dma_semaphore, #tpu.memory_space<semaphore_mem>>) src(%arg5 : memref<16x2048xf32, #tpu.memory_space<vmem>>) dst(%dma_wait3A_178 : memref<16x2048xf32, #tpu.memory_space<hbm>>)
    %add3A_179 = arith.constant 160 : i32
    %add3A_180 = arith.addi %add3A_8, %add3A_179 : i32
    %dma_start3A_181 = arith.constant 0 : i32
    %dma_start3A_182 = tpu.memref_slice %arg2[%add3A_180, %dma_start3A_181] : memref<20480x2048xf32, #tpu.memory_space<hbm>> -> memref<16x2048xf32, #tpu.memory_space<hbm>>
    %dma_start3A_183 = arith.constant 0 : i32
    %dma_start3A_184 = tpu.memref_slice %arg2[%add3A_180, %dma_start3A_183] : memref<20480x2048xf32, #tpu.memory_space<hbm>> -> memref<16x2048xf32, #tpu.memory_space<hbm>>
    tpu.enqueue_dma source(%dma_start3A_184 : memref<16x2048xf32, #tpu.memory_space<hbm>>) target(%arg5 : memref<16x2048xf32, #tpu.memory_space<vmem>>) target_semaphore(%arg8 : memref<!tpu.dma_semaphore, #tpu.memory_space<semaphore_mem>>)
    %dma_wait3A_185 = arith.constant 0 : i32
    %dma_wait3A_186 = tpu.memref_slice %arg2[%add3A_140, %dma_wait3A_185] : memref<20480x2048xf32, #tpu.memory_space<hbm>> -> memref<16x2048xf32, #tpu.memory_space<hbm>>
    %dma_wait3A_187 = arith.constant 0 : i32
    %dma_wait3A_188 = tpu.memref_slice %arg2[%add3A_140, %dma_wait3A_187] : memref<20480x2048xf32, #tpu.memory_space<hbm>> -> memref<16x2048xf32, #tpu.memory_space<hbm>>
    tpu.wait_dma2 semaphore(%arg9 : memref<!tpu.dma_semaphore, #tpu.memory_space<semaphore_mem>>) src(%dma_wait3A_188 : memref<16x2048xf32, #tpu.memory_space<hbm>>) dst(%arg6 : memref<16x2048xf32, #tpu.memory_space<vmem>>)
    %add3A_189 = arith.constant 128 : i32
    %add3A_190 = arith.addi %add3A_4, %add3A_189 : i32
    %dma_start3A_191 = arith.constant 0 : i32
    %dma_start3A_192 = tpu.memref_slice %arg3[%add3A_190, %dma_start3A_191] : memref<12288x2048xf32, #tpu.memory_space<hbm>> -> memref<16x2048xf32, #tpu.memory_space<hbm>>
    %dma_start3A_193 = arith.constant 0 : i32
    %dma_start3A_194 = tpu.memref_slice %arg3[%add3A_190, %dma_start3A_193] : memref<12288x2048xf32, #tpu.memory_space<hbm>> -> memref<16x2048xf32, #tpu.memory_space<hbm>>
    tpu.enqueue_dma source(%arg6 : memref<16x2048xf32, #tpu.memory_space<vmem>>) target(%dma_start3A_194 : memref<16x2048xf32, #tpu.memory_space<hbm>>) target_semaphore(%arg12 : memref<!tpu.dma_semaphore, #tpu.memory_space<semaphore_mem>>)
    %dma_wait3A_195 = arith.constant 0 : i32
    %dma_wait3A_196 = tpu.memref_slice %arg3[%add3A_190, %dma_wait3A_195] : memref<12288x2048xf32, #tpu.memory_space<hbm>> -> memref<16x2048xf32, #tpu.memory_space<hbm>>
    %dma_wait3A_197 = arith.constant 0 : i32
    %dma_wait3A_198 = tpu.memref_slice %arg3[%add3A_190, %dma_wait3A_197] : memref<12288x2048xf32, #tpu.memory_space<hbm>> -> memref<16x2048xf32, #tpu.memory_space<hbm>>
    tpu.wait_dma2 semaphore(%arg12 : memref<!tpu.dma_semaphore, #tpu.memory_space<semaphore_mem>>) src(%arg6 : memref<16x2048xf32, #tpu.memory_space<vmem>>) dst(%dma_wait3A_198 : memref<16x2048xf32, #tpu.memory_space<hbm>>)
    %add3A_199 = arith.constant 176 : i32
    %add3A_200 = arith.addi %add3A_8, %add3A_199 : i32
    %dma_start3A_201 = arith.constant 0 : i32
    %dma_start3A_202 = tpu.memref_slice %arg2[%add3A_200, %dma_start3A_201] : memref<20480x2048xf32, #tpu.memory_space<hbm>> -> memref<16x2048xf32, #tpu.memory_space<hbm>>
    %dma_start3A_203 = arith.constant 0 : i32
    %dma_start3A_204 = tpu.memref_slice %arg2[%add3A_200, %dma_start3A_203] : memref<20480x2048xf32, #tpu.memory_space<hbm>> -> memref<16x2048xf32, #tpu.memory_space<hbm>>
    tpu.enqueue_dma source(%dma_start3A_204 : memref<16x2048xf32, #tpu.memory_space<hbm>>) target(%arg6 : memref<16x2048xf32, #tpu.memory_space<vmem>>) target_semaphore(%arg9 : memref<!tpu.dma_semaphore, #tpu.memory_space<semaphore_mem>>)
    %dma_wait3A_205 = arith.constant 0 : i32
    %dma_wait3A_206 = tpu.memref_slice %arg2[%add3A_160, %dma_wait3A_205] : memref<20480x2048xf32, #tpu.memory_space<hbm>> -> memref<16x2048xf32, #tpu.memory_space<hbm>>
    %dma_wait3A_207 = arith.constant 0 : i32
    %dma_wait3A_208 = tpu.memref_slice %arg2[%add3A_160, %dma_wait3A_207] : memref<20480x2048xf32, #tpu.memory_space<hbm>> -> memref<16x2048xf32, #tpu.memory_space<hbm>>
    tpu.wait_dma2 semaphore(%arg7 : memref<!tpu.dma_semaphore, #tpu.memory_space<semaphore_mem>>) src(%dma_wait3A_208 : memref<16x2048xf32, #tpu.memory_space<hbm>>) dst(%arg4 : memref<16x2048xf32, #tpu.memory_space<vmem>>)
    %add3A_209 = arith.constant 144 : i32
    %add3A_210 = arith.addi %add3A_4, %add3A_209 : i32
    %dma_start3A_211 = arith.constant 0 : i32
    %dma_start3A_212 = tpu.memref_slice %arg3[%add3A_210, %dma_start3A_211] : memref<12288x2048xf32, #tpu.memory_space<hbm>> -> memref<16x2048xf32, #tpu.memory_space<hbm>>
    %dma_start3A_213 = arith.constant 0 : i32
    %dma_start3A_214 = tpu.memref_slice %arg3[%add3A_210, %dma_start3A_213] : memref<12288x2048xf32, #tpu.memory_space<hbm>> -> memref<16x2048xf32, #tpu.memory_space<hbm>>
    tpu.enqueue_dma source(%arg4 : memref<16x2048xf32, #tpu.memory_space<vmem>>) target(%dma_start3A_214 : memref<16x2048xf32, #tpu.memory_space<hbm>>) target_semaphore(%arg10 : memref<!tpu.dma_semaphore, #tpu.memory_space<semaphore_mem>>)
    %dma_wait3A_215 = arith.constant 0 : i32
    %dma_wait3A_216 = tpu.memref_slice %arg3[%add3A_210, %dma_wait3A_215] : memref<12288x2048xf32, #tpu.memory_space<hbm>> -> memref<16x2048xf32, #tpu.memory_space<hbm>>
    %dma_wait3A_217 = arith.constant 0 : i32
    %dma_wait3A_218 = tpu.memref_slice %arg3[%add3A_210, %dma_wait3A_217] : memref<12288x2048xf32, #tpu.memory_space<hbm>> -> memref<16x2048xf32, #tpu.memory_space<hbm>>
    tpu.wait_dma2 semaphore(%arg10 : memref<!tpu.dma_semaphore, #tpu.memory_space<semaphore_mem>>) src(%arg4 : memref<16x2048xf32, #tpu.memory_space<vmem>>) dst(%dma_wait3A_218 : memref<16x2048xf32, #tpu.memory_space<hbm>>)
    %add3A_219 = arith.constant 192 : i32
    %add3A_220 = arith.addi %add3A_8, %add3A_219 : i32
    %dma_start3A_221 = arith.constant 0 : i32
    %dma_start3A_222 = tpu.memref_slice %arg2[%add3A_220, %dma_start3A_221] : memref<20480x2048xf32, #tpu.memory_space<hbm>> -> memref<16x2048xf32, #tpu.memory_space<hbm>>
    %dma_start3A_223 = arith.constant 0 : i32
    %dma_start3A_224 = tpu.memref_slice %arg2[%add3A_220, %dma_start3A_223] : memref<20480x2048xf32, #tpu.memory_space<hbm>> -> memref<16x2048xf32, #tpu.memory_space<hbm>>
    tpu.enqueue_dma source(%dma_start3A_224 : memref<16x2048xf32, #tpu.memory_space<hbm>>) target(%arg4 : memref<16x2048xf32, #tpu.memory_space<vmem>>) target_semaphore(%arg7 : memref<!tpu.dma_semaphore, #tpu.memory_space<semaphore_mem>>)
    %dma_wait3A_225 = arith.constant 0 : i32
    %dma_wait3A_226 = tpu.memref_slice %arg2[%add3A_180, %dma_wait3A_225] : memref<20480x2048xf32, #tpu.memory_space<hbm>> -> memref<16x2048xf32, #tpu.memory_space<hbm>>
    %dma_wait3A_227 = arith.constant 0 : i32
    %dma_wait3A_228 = tpu.memref_slice %arg2[%add3A_180, %dma_wait3A_227] : memref<20480x2048xf32, #tpu.memory_space<hbm>> -> memref<16x2048xf32, #tpu.memory_space<hbm>>
    tpu.wait_dma2 semaphore(%arg8 : memref<!tpu.dma_semaphore, #tpu.memory_space<semaphore_mem>>) src(%dma_wait3A_228 : memref<16x2048xf32, #tpu.memory_space<hbm>>) dst(%arg5 : memref<16x2048xf32, #tpu.memory_space<vmem>>)
    %add3A_229 = arith.constant 160 : i32
    %add3A_230 = arith.addi %add3A_4, %add3A_229 : i32
    %dma_start3A_231 = arith.constant 0 : i32
    %dma_start3A_232 = tpu.memref_slice %arg3[%add3A_230, %dma_start3A_231] : memref<12288x2048xf32, #tpu.memory_space<hbm>> -> memref<16x2048xf32, #tpu.memory_space<hbm>>
    %dma_start3A_233 = arith.constant 0 : i32
    %dma_start3A_234 = tpu.memref_slice %arg3[%add3A_230, %dma_start3A_233] : memref<12288x2048xf32, #tpu.memory_space<hbm>> -> memref<16x2048xf32, #tpu.memory_space<hbm>>
    tpu.enqueue_dma source(%arg5 : memref<16x2048xf32, #tpu.memory_space<vmem>>) target(%dma_start3A_234 : memref<16x2048xf32, #tpu.memory_space<hbm>>) target_semaphore(%arg11 : memref<!tpu.dma_semaphore, #tpu.memory_space<semaphore_mem>>)
    %dma_wait3A_235 = arith.constant 0 : i32
    %dma_wait3A_236 = tpu.memref_slice %arg3[%add3A_230, %dma_wait3A_235] : memref<12288x2048xf32, #tpu.memory_space<hbm>> -> memref<16x2048xf32, #tpu.memory_space<hbm>>
    %dma_wait3A_237 = arith.constant 0 : i32
    %dma_wait3A_238 = tpu.memref_slice %arg3[%add3A_230, %dma_wait3A_237] : memref<12288x2048xf32, #tpu.memory_space<hbm>> -> memref<16x2048xf32, #tpu.memory_space<hbm>>
    tpu.wait_dma2 semaphore(%arg11 : memref<!tpu.dma_semaphore, #tpu.memory_space<semaphore_mem>>) src(%arg5 : memref<16x2048xf32, #tpu.memory_space<vmem>>) dst(%dma_wait3A_238 : memref<16x2048xf32, #tpu.memory_space<hbm>>)
    %add3A_239 = arith.constant 208 : i32
    %add3A_240 = arith.addi %add3A_8, %add3A_239 : i32
    %dma_start3A_241 = arith.constant 0 : i32
    %dma_start3A_242 = tpu.memref_slice %arg2[%add3A_240, %dma_start3A_241] : memref<20480x2048xf32, #tpu.memory_space<hbm>> -> memref<16x2048xf32, #tpu.memory_space<hbm>>
    %dma_start3A_243 = arith.constant 0 : i32
    %dma_start3A_244 = tpu.memref_slice %arg2[%add3A_240, %dma_start3A_243] : memref<20480x2048xf32, #tpu.memory_space<hbm>> -> memref<16x2048xf32, #tpu.memory_space<hbm>>
    tpu.enqueue_dma source(%dma_start3A_244 : memref<16x2048xf32, #tpu.memory_space<hbm>>) target(%arg5 : memref<16x2048xf32, #tpu.memory_space<vmem>>) target_semaphore(%arg8 : memref<!tpu.dma_semaphore, #tpu.memory_space<semaphore_mem>>)
    %dma_wait3A_245 = arith.constant 0 : i32
    %dma_wait3A_246 = tpu.memref_slice %arg2[%add3A_200, %dma_wait3A_245] : memref<20480x2048xf32, #tpu.memory_space<hbm>> -> memref<16x2048xf32, #tpu.memory_space<hbm>>
    %dma_wait3A_247 = arith.constant 0 : i32
    %dma_wait3A_248 = tpu.memref_slice %arg2[%add3A_200, %dma_wait3A_247] : memref<20480x2048xf32, #tpu.memory_space<hbm>> -> memref<16x2048xf32, #tpu.memory_space<hbm>>
    tpu.wait_dma2 semaphore(%arg9 : memref<!tpu.dma_semaphore, #tpu.memory_space<semaphore_mem>>) src(%dma_wait3A_248 : memref<16x2048xf32, #tpu.memory_space<hbm>>) dst(%arg6 : memref<16x2048xf32, #tpu.memory_space<vmem>>)
    %add3A_249 = arith.constant 176 : i32
    %add3A_250 = arith.addi %add3A_4, %add3A_249 : i32
    %dma_start3A_251 = arith.constant 0 : i32
    %dma_start3A_252 = tpu.memref_slice %arg3[%add3A_250, %dma_start3A_251] : memref<12288x2048xf32, #tpu.memory_space<hbm>> -> memref<16x2048xf32, #tpu.memory_space<hbm>>
    %dma_start3A_253 = arith.constant 0 : i32
    %dma_start3A_254 = tpu.memref_slice %arg3[%add3A_250, %dma_start3A_253] : memref<12288x2048xf32, #tpu.memory_space<hbm>> -> memref<16x2048xf32, #tpu.memory_space<hbm>>
    tpu.enqueue_dma source(%arg6 : memref<16x2048xf32, #tpu.memory_space<vmem>>) target(%dma_start3A_254 : memref<16x2048xf32, #tpu.memory_space<hbm>>) target_semaphore(%arg12 : memref<!tpu.dma_semaphore, #tpu.memory_space<semaphore_mem>>)
    %dma_wait3A_255 = arith.constant 0 : i32
    %dma_wait3A_256 = tpu.memref_slice %arg3[%add3A_250, %dma_wait3A_255] : memref<12288x2048xf32, #tpu.memory_space<hbm>> -> memref<16x2048xf32, #tpu.memory_space<hbm>>
    %dma_wait3A_257 = arith.constant 0 : i32
    %dma_wait3A_258 = tpu.memref_slice %arg3[%add3A_250, %dma_wait3A_257] : memref<12288x2048xf32, #tpu.memory_space<hbm>> -> memref<16x2048xf32, #tpu.memory_space<hbm>>
    tpu.wait_dma2 semaphore(%arg12 : memref<!tpu.dma_semaphore, #tpu.memory_space<semaphore_mem>>) src(%arg6 : memref<16x2048xf32, #tpu.memory_space<vmem>>) dst(%dma_wait3A_258 : memref<16x2048xf32, #tpu.memory_space<hbm>>)
    %add3A_259 = arith.constant 224 : i32
    %add3A_260 = arith.addi %add3A_8, %add3A_259 : i32
    %dma_start3A_261 = arith.constant 0 : i32
    %dma_start3A_262 = tpu.memref_slice %arg2[%add3A_260, %dma_start3A_261] : memref<20480x2048xf32, #tpu.memory_space<hbm>> -> memref<16x2048xf32, #tpu.memory_space<hbm>>
    %dma_start3A_263 = arith.constant 0 : i32
    %dma_start3A_264 = tpu.memref_slice %arg2[%add3A_260, %dma_start3A_263] : memref<20480x2048xf32, #tpu.memory_space<hbm>> -> memref<16x2048xf32, #tpu.memory_space<hbm>>
    tpu.enqueue_dma source(%dma_start3A_264 : memref<16x2048xf32, #tpu.memory_space<hbm>>) target(%arg6 : memref<16x2048xf32, #tpu.memory_space<vmem>>) target_semaphore(%arg9 : memref<!tpu.dma_semaphore, #tpu.memory_space<semaphore_mem>>)
    %dma_wait3A_265 = arith.constant 0 : i32
    %dma_wait3A_266 = tpu.memref_slice %arg2[%add3A_220, %dma_wait3A_265] : memref<20480x2048xf32, #tpu.memory_space<hbm>> -> memref<16x2048xf32, #tpu.memory_space<hbm>>
    %dma_wait3A_267 = arith.constant 0 : i32
    %dma_wait3A_268 = tpu.memref_slice %arg2[%add3A_220, %dma_wait3A_267] : memref<20480x2048xf32, #tpu.memory_space<hbm>> -> memref<16x2048xf32, #tpu.memory_space<hbm>>
    tpu.wait_dma2 semaphore(%arg7 : memref<!tpu.dma_semaphore, #tpu.memory_space<semaphore_mem>>) src(%dma_wait3A_268 : memref<16x2048xf32, #tpu.memory_space<hbm>>) dst(%arg4 : memref<16x2048xf32, #tpu.memory_space<vmem>>)
    %add3A_269 = arith.constant 192 : i32
    %add3A_270 = arith.addi %add3A_4, %add3A_269 : i32
    %dma_start3A_271 = arith.constant 0 : i32
    %dma_start3A_272 = tpu.memref_slice %arg3[%add3A_270, %dma_start3A_271] : memref<12288x2048xf32, #tpu.memory_space<hbm>> -> memref<16x2048xf32, #tpu.memory_space<hbm>>
    %dma_start3A_273 = arith.constant 0 : i32
    %dma_start3A_274 = tpu.memref_slice %arg3[%add3A_270, %dma_start3A_273] : memref<12288x2048xf32, #tpu.memory_space<hbm>> -> memref<16x2048xf32, #tpu.memory_space<hbm>>
    tpu.enqueue_dma source(%arg4 : memref<16x2048xf32, #tpu.memory_space<vmem>>) target(%dma_start3A_274 : memref<16x2048xf32, #tpu.memory_space<hbm>>) target_semaphore(%arg10 : memref<!tpu.dma_semaphore, #tpu.memory_space<semaphore_mem>>)
    %dma_wait3A_275 = arith.constant 0 : i32
    %dma_wait3A_276 = tpu.memref_slice %arg3[%add3A_270, %dma_wait3A_275] : memref<12288x2048xf32, #tpu.memory_space<hbm>> -> memref<16x2048xf32, #tpu.memory_space<hbm>>
    %dma_wait3A_277 = arith.constant 0 : i32
    %dma_wait3A_278 = tpu.memref_slice %arg3[%add3A_270, %dma_wait3A_277] : memref<12288x2048xf32, #tpu.memory_space<hbm>> -> memref<16x2048xf32, #tpu.memory_space<hbm>>
    tpu.wait_dma2 semaphore(%arg10 : memref<!tpu.dma_semaphore, #tpu.memory_space<semaphore_mem>>) src(%arg4 : memref<16x2048xf32, #tpu.memory_space<vmem>>) dst(%dma_wait3A_278 : memref<16x2048xf32, #tpu.memory_space<hbm>>)
    %add3A_279 = arith.constant 240 : i32
    %add3A_280 = arith.addi %add3A_8, %add3A_279 : i32
    %dma_start3A_281 = arith.constant 0 : i32
    %dma_start3A_282 = tpu.memref_slice %arg2[%add3A_280, %dma_start3A_281] : memref<20480x2048xf32, #tpu.memory_space<hbm>> -> memref<16x2048xf32, #tpu.memory_space<hbm>>
    %dma_start3A_283 = arith.constant 0 : i32
    %dma_start3A_284 = tpu.memref_slice %arg2[%add3A_280, %dma_start3A_283] : memref<20480x2048xf32, #tpu.memory_space<hbm>> -> memref<16x2048xf32, #tpu.memory_space<hbm>>
    tpu.enqueue_dma source(%dma_start3A_284 : memref<16x2048xf32, #tpu.memory_space<hbm>>) target(%arg4 : memref<16x2048xf32, #tpu.memory_space<vmem>>) target_semaphore(%arg7 : memref<!tpu.dma_semaphore, #tpu.memory_space<semaphore_mem>>)
    %dma_wait3A_285 = arith.constant 0 : i32
    %dma_wait3A_286 = tpu.memref_slice %arg2[%add3A_240, %dma_wait3A_285] : memref<20480x2048xf32, #tpu.memory_space<hbm>> -> memref<16x2048xf32, #tpu.memory_space<hbm>>
    %dma_wait3A_287 = arith.constant 0 : i32
    %dma_wait3A_288 = tpu.memref_slice %arg2[%add3A_240, %dma_wait3A_287] : memref<20480x2048xf32, #tpu.memory_space<hbm>> -> memref<16x2048xf32, #tpu.memory_space<hbm>>
    tpu.wait_dma2 semaphore(%arg8 : memref<!tpu.dma_semaphore, #tpu.memory_space<semaphore_mem>>) src(%dma_wait3A_288 : memref<16x2048xf32, #tpu.memory_space<hbm>>) dst(%arg5 : memref<16x2048xf32, #tpu.memory_space<vmem>>)
    %add3A_289 = arith.constant 208 : i32
    %add3A_290 = arith.addi %add3A_4, %add3A_289 : i32
    %dma_start3A_291 = arith.constant 0 : i32
    %dma_start3A_292 = tpu.memref_slice %arg3[%add3A_290, %dma_start3A_291] : memref<12288x2048xf32, #tpu.memory_space<hbm>> -> memref<16x2048xf32, #tpu.memory_space<hbm>>
    %dma_start3A_293 = arith.constant 0 : i32
    %dma_start3A_294 = tpu.memref_slice %arg3[%add3A_290, %dma_start3A_293] : memref<12288x2048xf32, #tpu.memory_space<hbm>> -> memref<16x2048xf32, #tpu.memory_space<hbm>>
    tpu.enqueue_dma source(%arg5 : memref<16x2048xf32, #tpu.memory_space<vmem>>) target(%dma_start3A_294 : memref<16x2048xf32, #tpu.memory_space<hbm>>) target_semaphore(%arg11 : memref<!tpu.dma_semaphore, #tpu.memory_space<semaphore_mem>>)
    %dma_wait3A_295 = arith.constant 0 : i32
    %dma_wait3A_296 = tpu.memref_slice %arg2[%add3A_260, %dma_wait3A_295] : memref<20480x2048xf32, #tpu.memory_space<hbm>> -> memref<16x2048xf32, #tpu.memory_space<hbm>>
    %dma_wait3A_297 = arith.constant 0 : i32
    %dma_wait3A_298 = tpu.memref_slice %arg2[%add3A_260, %dma_wait3A_297] : memref<20480x2048xf32, #tpu.memory_space<hbm>> -> memref<16x2048xf32, #tpu.memory_space<hbm>>
    tpu.wait_dma2 semaphore(%arg9 : memref<!tpu.dma_semaphore, #tpu.memory_space<semaphore_mem>>) src(%dma_wait3A_298 : memref<16x2048xf32, #tpu.memory_space<hbm>>) dst(%arg6 : memref<16x2048xf32, #tpu.memory_space<vmem>>)
    %add3A_299 = arith.constant 224 : i32
    %add3A_300 = arith.addi %add3A_4, %add3A_299 : i32
    %dma_start3A_301 = arith.constant 0 : i32
    %dma_start3A_302 = tpu.memref_slice %arg3[%add3A_300, %dma_start3A_301] : memref<12288x2048xf32, #tpu.memory_space<hbm>> -> memref<16x2048xf32, #tpu.memory_space<hbm>>
    %dma_start3A_303 = arith.constant 0 : i32
    %dma_start3A_304 = tpu.memref_slice %arg3[%add3A_300, %dma_start3A_303] : memref<12288x2048xf32, #tpu.memory_space<hbm>> -> memref<16x2048xf32, #tpu.memory_space<hbm>>
    tpu.enqueue_dma source(%arg6 : memref<16x2048xf32, #tpu.memory_space<vmem>>) target(%dma_start3A_304 : memref<16x2048xf32, #tpu.memory_space<hbm>>) target_semaphore(%arg12 : memref<!tpu.dma_semaphore, #tpu.memory_space<semaphore_mem>>)
    %dma_wait3A_305 = arith.constant 0 : i32
    %dma_wait3A_306 = tpu.memref_slice %arg2[%add3A_280, %dma_wait3A_305] : memref<20480x2048xf32, #tpu.memory_space<hbm>> -> memref<16x2048xf32, #tpu.memory_space<hbm>>
    %dma_wait3A_307 = arith.constant 0 : i32
    %dma_wait3A_308 = tpu.memref_slice %arg2[%add3A_280, %dma_wait3A_307] : memref<20480x2048xf32, #tpu.memory_space<hbm>> -> memref<16x2048xf32, #tpu.memory_space<hbm>>
    tpu.wait_dma2 semaphore(%arg7 : memref<!tpu.dma_semaphore, #tpu.memory_space<semaphore_mem>>) src(%dma_wait3A_308 : memref<16x2048xf32, #tpu.memory_space<hbm>>) dst(%arg4 : memref<16x2048xf32, #tpu.memory_space<vmem>>)
    %add3A_309 = arith.constant 240 : i32
    %add3A_310 = arith.addi %add3A_4, %add3A_309 : i32
    %dma_start3A_311 = arith.constant 0 : i32
    %dma_start3A_312 = tpu.memref_slice %arg3[%add3A_310, %dma_start3A_311] : memref<12288x2048xf32, #tpu.memory_space<hbm>> -> memref<16x2048xf32, #tpu.memory_space<hbm>>
    %dma_start3A_313 = arith.constant 0 : i32
    %dma_start3A_314 = tpu.memref_slice %arg3[%add3A_310, %dma_start3A_313] : memref<12288x2048xf32, #tpu.memory_space<hbm>> -> memref<16x2048xf32, #tpu.memory_space<hbm>>
    tpu.enqueue_dma source(%arg4 : memref<16x2048xf32, #tpu.memory_space<vmem>>) target(%dma_start3A_314 : memref<16x2048xf32, #tpu.memory_space<hbm>>) target_semaphore(%arg10 : memref<!tpu.dma_semaphore, #tpu.memory_space<semaphore_mem>>)
    %dma_wait3A_315 = arith.constant 0 : i32
    %dma_wait3A_316 = tpu.memref_slice %arg3[%add3A_290, %dma_wait3A_315] : memref<12288x2048xf32, #tpu.memory_space<hbm>> -> memref<16x2048xf32, #tpu.memory_space<hbm>>
    %dma_wait3A_317 = arith.constant 0 : i32
    %dma_wait3A_318 = tpu.memref_slice %arg3[%add3A_290, %dma_wait3A_317] : memref<12288x2048xf32, #tpu.memory_space<hbm>> -> memref<16x2048xf32, #tpu.memory_space<hbm>>
    tpu.wait_dma2 semaphore(%arg11 : memref<!tpu.dma_semaphore, #tpu.memory_space<semaphore_mem>>) src(%arg5 : memref<16x2048xf32, #tpu.memory_space<vmem>>) dst(%dma_wait3A_318 : memref<16x2048xf32, #tpu.memory_space<hbm>>)
    %dma_wait3A_319 = arith.constant 0 : i32
    %dma_wait3A_320 = tpu.memref_slice %arg3[%add3A_300, %dma_wait3A_319] : memref<12288x2048xf32, #tpu.memory_space<hbm>> -> memref<16x2048xf32, #tpu.memory_space<hbm>>
    %dma_wait3A_321 = arith.constant 0 : i32
    %dma_wait3A_322 = tpu.memref_slice %arg3[%add3A_300, %dma_wait3A_321] : memref<12288x2048xf32, #tpu.memory_space<hbm>> -> memref<16x2048xf32, #tpu.memory_space<hbm>>
    tpu.wait_dma2 semaphore(%arg12 : memref<!tpu.dma_semaphore, #tpu.memory_space<semaphore_mem>>) src(%arg6 : memref<16x2048xf32, #tpu.memory_space<vmem>>) dst(%dma_wait3A_322 : memref<16x2048xf32, #tpu.memory_space<hbm>>)
    %dma_wait3A_323 = arith.constant 0 : i32
    %dma_wait3A_324 = tpu.memref_slice %arg3[%add3A_310, %dma_wait3A_323] : memref<12288x2048xf32, #tpu.memory_space<hbm>> -> memref<16x2048xf32, #tpu.memory_space<hbm>>
    %dma_wait3A_325 = arith.constant 0 : i32
    %dma_wait3A_326 = tpu.memref_slice %arg3[%add3A_310, %dma_wait3A_325] : memref<12288x2048xf32, #tpu.memory_space<hbm>> -> memref<16x2048xf32, #tpu.memory_space<hbm>>
    tpu.wait_dma2 semaphore(%arg10 : memref<!tpu.dma_semaphore, #tpu.memory_space<semaphore_mem>>) src(%arg4 : memref<16x2048xf32, #tpu.memory_space<vmem>>) dst(%dma_wait3A_326 : memref<16x2048xf32, #tpu.memory_space<hbm>>)
    return
  }
}

module attributes {stable_mosaic.version = 14 : i64} {
  func.func @_tc_identity_body(%arg0: i32, %arg1: memref<12288x2048xf32, #tpu.memory_space<any>>, %arg2: memref<1024x2048xf32, #tpu.memory_space<vmem>>, %arg3: memref<1024x2048xf32, #tpu.memory_space<vmem>>) attributes {dimension_semantics = [#tpu.dimension_semantics<arbitrary>], iteration_bounds = array<i64: 4>, scalar_prefetch = 0 : i64, scratch_operands = 0 : i64, tpu.core_type = #tpu.core_type<tc>, window_params = [{}, {transform_indices = @transform_1, window_bounds = array<i64: 1024, 2048>}, {transform_indices = @transform_2, window_bounds = array<i64: 1024, 2048>}]} {
    %get3A = arith.constant 0 : index
    %get3A_0 = arith.constant 0 : index
    %get3A_1 = vector.load %arg2[%get3A, %get3A_0] : memref<1024x2048xf32, #tpu.memory_space<vmem>>, vector<1024x2048xf32>
    %swap3A = arith.constant 0 : index
    %swap3A_2 = arith.constant 0 : index
    %swap3A_3 = vector.load %arg3[%swap3A, %swap3A_2] : memref<1024x2048xf32, #tpu.memory_space<vmem>>, vector<1024x2048xf32>
    tpu.vector_store %arg3[%swap3A, %swap3A_2], %get3A_1 {strides = array<i32>} : memref<1024x2048xf32, #tpu.memory_space<vmem>>, vector<1024x2048xf32>,
    return
  }
  func.func @transform_1(%arg0: i32) -> (i32, i32) {
    %c0_i32 = arith.constant 0 : i32
    %c0_i32_0 = arith.constant 0 : i32
    return %arg0, %c0_i32 : i32, i32
  }
  func.func @transform_2(%arg0: i32) -> (i32, i32) {
    %c0_i32 = arith.constant 0 : i32
    %c0_i32_0 = arith.constant 0 : i32
    return %arg0, %c0_i32 : i32, i32
  }
}

</mosaic_0001>

<sc_bundles>
// kernel: kernel.4.cloned.1.call-start
scs
__scs_entry_jumppad:
0x0: {  	(pc) =	sbr.rel $0x88, $3  }
0x1: {  	(tag) =	ssettag $0x0;
	lr =	simm.s32 $0x1  }
0x2: {  	[smem:$0x3FA0] =	sst lr;
	_ =	strace $0xD0000000  }
0x3: {  	_ = 	snop  }
0x4: {  	_ = 	snop  }
0x5: {  	_ = 	snop  }
0x6: {  	_ = 	snop  }
0x7: {  	_ = 	snop  }
__scs_overlays_trampoline_lowered:
0x8: {  	[smem:$0x3FAF] =	sst s0  }
0x9: {  	[smem:$0x3FB0] =	sst s1  }
0xa: {  	[smem:$0x3FB1] =	sst s2  }
0xb: {  	[smem:$0x3FB2] =	sst s3  }
0xc: {  	[smem:$0x3FB3] =	sst s4  }
0xd: {  	[smem:$0x3FB4] =	sst s5  }
0xe: {  	[smem:$0x3FB5] =	sst s6  }
0xf: {  	[smem:$0x3FB6] =	sst s7  }
0x10: {  	[smem:$0x3FB7] =	sst s8  }
0x11: {  	[smem:$0x3FB8] =	sst s9;
	s0 =	simm.s32 @!p0 $0x0  }
0x12: {  	s1 =	sld [smem:$0x3F9E];
	s0 =	simm.s32 @p0 $0x1  }
0x13: {  	[smem:$0x3FB9] =	sst s0;
	s0 =	simm.s32 @!p1 $0x0  }
0x14: {  	s2 =	sld [smem:$0x3F9D];
	s0 =	simm.s32 @p1 $0x1  }
0x15: {  	[smem:$0x3FBA] =	sst s0;
	s0 =	simm.s32 @!p2 $0x0  }
0x16: {  	s3 =	sld [smem:$0x3FDB];
	s0 =	simm.s32 @p2 $0x1  }
0x17: {  	s4 =	simm.s32 $0x1BF5;
	[smem:$0x3FBC] =	sst s0  }
0x18: {  	s0 =	sld [smem:$0x3F9F];
	_ =	swait.ge [sflag:s4], $0x0  }
0x19: {  	s7 =	sld [smem:$0x3FA0]  }
0x1a: {  	s8 =	sadd.s32 $0xFFFFE003, lr  }
0x1b: {  	s9 =	sadd.s32 $0xFFFFFEF7, lr;
	s5 =	simm.s32 $0xFFFFFFFF;
	p2 =	slt.u32 s8, $0xFFFFF086  }
0x1c: {  	p1 =	slt.u32 s9, $0xF7A;
	s5 =	simm.s32 @!p2 $0x0  }
0x1d: {  	s5 =	simm.s32 @p1 $0x1;
	p0 =	seq.s32 s7, s2  }
0x1e: {  	s7 =	smul.u32 @!p0 $0xF7A, s2;
	p2 =	seq.s32 @!p0 s5, $0x0  }
0x1f: {  	s9 =	smul.u32 $0xF7A, s1;
	s8 =	simm.s32 @!p0 $0x1BF5;
	p2 =	por !p2, p0  }
0x20: {  	[sflag:s8] =	ssyncset.s32 @!p0 $0xFFFFF086;
	s6 =	sadd.s32 @!p0 s3, s7;
	s7 =	simm.s32 @!p0 $0x108  }
0x21: {  	s3 =	sadd.s32 s3, s9;
	s6 =	sadd.s32 @!p0 $0x88, s6;
	s7 =	simm.s32 @p2 $0x1082  }
0x22: {  	[simem:s7], [sflag:s8] =	dma.local @!p0 [hbm:s6], $0xF7A  }
0x23: {  	s9 =	sor.u32 $0xD0000000, s2;
	s6 =	simm.s32 $0x108;
	_ =	swait.ge @!p0 [sflag:s8], $0x0  }
0x24: {  	s3 =	sadd.s32 $0x88, s3;
	s6 =	simm.s32 @!p1 $0x1082;
	[sflag:s4] =	ssyncset.s32 $0xFFFFF086  }
0x25: {  	[simem:s6], [sflag:s4] =	dma.local [hbm:s3], $0xF7A  }
0x26: {  	[smem:$0x3FA0] =	sst s1;
	(tag) =	ssettag s2;
	_ =	strace s9  }
0x27: {  	s1 =	sld [smem:$0x3FB0]  }
0x28: {  	s2 =	sld [smem:$0x3FB1]  }
0x29: {  	s4 =	sld [smem:$0x3FB3]  }
0x2a: {  	p0 =	seq.s32 s5, $0x0;
	s5 =	sld [smem:$0x3FB4]  }
0x2b: {  	s6 =	sld [smem:$0x3FB5]  }
0x2c: {  	s7 =	sld [smem:$0x3FB6]  }
0x2d: {  	s3 =	simm.s32 $0x108;
	s8 =	sld [smem:$0x3FB7]  }
0x2e: {  	s3 =	simm.s32 @!p0 $0x1082;
	s9 =	sld [smem:$0x3FB8]  }
0x2f: {  	lr =	sadd.s32 s0, s3;
	s0 =	sld [smem:$0x3FAF]  }
0x30: {  	s3 =	sld [smem:$0x3FB2]  }
0x31: {  	[smem:$0x3FBB] =	sst s10  }
0x32: {  	s10 =	sld [smem:$0x3FB9];
	_ =	sdelay $0x3  }
0x33: {  	p0 =	seq.s32 s10, $0x1;
	s10 =	sld [smem:$0x3FBB];
	_ =	sdelay $0x3  }
0x34: {  	[smem:$0x3FBB] =	sst s10  }
0x35: {  	s10 =	sld [smem:$0x3FBA];
	_ =	sdelay $0x3  }
0x36: {  	p1 =	seq.s32 s10, $0x1;
	s10 =	sld [smem:$0x3FBB];
	_ =	sdelay $0x3  }
0x37: {  	[smem:$0x3FBB] =	sst s10  }
0x38: {  	s10 =	sld [smem:$0x3FBC]  }
0x39: {  	_ = 	snop;
	(pc) =	sbr.ind lr, $3  }
0x3a: {  	_ = 	snop  }
0x3b: {  	_ = 	snop  }
0x3c: {  	p2 =	seq.s32 s10, $0x1;
	s10 =	sld [smem:$0x3FBB]  }
0x3d: {  	_ =	shalt  }
0x3e: {  	_ =	shalt  }
0x3f: {  	_ =	shalt  }
0x40: {  	_ =	shalt  }
0x41: {  	_ =	shalt  }
0x42: {  	_ =	shalt  }
0x43: {  	_ =	shalt  }
0x44: {  	_ =	shalt  }
0x45: {  	_ =	shalt  }
0x46: {  	_ =	shalt  }
0x47: {  	_ =	shalt  }
0x48: {  	_ =	shalt  }
0x49: {  	_ =	shalt  }
0x4a: {  	_ =	shalt  }
0x4b: {  	_ =	shalt  }
0x4c: {  	_ =	shalt  }
0x4d: {  	_ =	shalt  }
0x4e: {  	_ =	shalt  }
0x4f: {  	_ =	shalt  }
0x50: {  	_ =	shalt  }
0x51: {  	_ =	shalt  }
0x52: {  	_ =	shalt  }
0x53: {  	_ =	shalt  }
0x54: {  	_ =	shalt  }
0x55: {  	_ =	shalt  }
0x56: {  	_ =	shalt  }
0x57: {  	_ =	shalt  }
0x58: {  	_ =	shalt  }
0x59: {  	_ =	shalt  }
0x5a: {  	_ =	shalt  }
0x5b: {  	_ =	shalt  }
0x5c: {  	_ =	shalt  }
0x5d: {  	_ =	shalt  }
0x5e: {  	_ =	shalt  }
0x5f: {  	_ =	shalt  }
0x60: {  	_ =	shalt  }
0x61: {  	_ =	shalt  }
0x62: {  	_ =	shalt  }
0x63: {  	_ =	shalt  }
0x64: {  	_ =	shalt  }
0x65: {  	_ =	shalt  }
0x66: {  	_ =	shalt  }
0x67: {  	_ =	shalt  }
0x68: {  	_ =	shalt  }
0x69: {  	_ =	shalt  }
0x6a: {  	_ =	shalt  }
0x6b: {  	_ =	shalt  }
0x6c: {  	_ =	shalt  }
0x6d: {  	_ =	shalt  }
0x6e: {  	_ =	shalt  }
0x6f: {  	_ =	shalt  }
0x70: {  	_ =	shalt  }
0x71: {  	_ =	shalt  }
0x72: {  	_ =	shalt  }
0x73: {  	_ =	shalt  }
0x74: {  	_ =	shalt  }
0x75: {  	_ =	shalt  }
0x76: {  	_ =	shalt  }
0x77: {  	_ =	shalt  }
0x78: {  	_ =	shalt  }
0x79: {  	_ =	shalt  }
0x7a: {  	_ =	shalt  }
0x7b: {  	_ =	shalt  }
0x7c: {  	_ =	shalt  }
0x7d: {  	_ =	shalt  }
0x7e: {  	_ =	shalt  }
0x7f: {  	_ =	shalt  }
0x80: {  	_ =	shalt  }
0x81: {  	_ =	shalt  }
0x82: {  	_ =	shalt  }
0x83: {  	_ =	shalt  }
0x84: {  	_ =	shalt  }
0x85: {  	_ =	shalt  }
0x86: {  	_ =	shalt  }
0x87: {  	_ =	shalt  }
.Lfunc_end0:
.L_simem_size_0:
called_computation_lowered:
.L_overlay_start_0:
0x88: {  	s2 =	sld [smem:$0x3FD9]  }
0x89: {  	s3 =	sld [smem:$0x3FFE];
	_ =	sdelay $0x1  }
0x8a: {  	s1 =	srdreg.scid  }
0x8b: {  	s0 =	sand.u32 $0x1, s1  }
0x8c: {  	s18 =	sshll.u32 s0, $0xA;
	s2 =	sadd.s32 s3, s2  }
0x8d: {  	s2 =	sadd.s32 s2, s18  }
0x8e: {  	[smem:$0x3FC7] =	sst s2  }
0x8f: {  	_ = 	snop  }
0x90: {  	s2 =	sld [smem:$0x3FC9]  }
0x91: {  	s19 =	sld [smem:$0x3FD0];
	(tm) =	ssettm $0x1  }
0x92: {  	s4 =	sld [smem:$0x3FFB];
	_ =	sdelay $0x3  }
0x93: {  	_ =	strace s4  }
0x94: {  	s4 =	sld [smem:$0x3FFC];
	_ =	sdelay $0x3  }
0x95: {  	_ =	strace s4  }
0x96: {  	s4 =	sld [smem:$0x3FFD];
	_ =	sdelay $0x3  }
0x97: {  	_ =	strace s4  }
0x98: {  	_ =	strace $0x8FFFFFFF  }
0x99: {  	s20 =	sld [smem:$0x3FDB];
	_ =	sdelay $0x1  }
0x9a: {  	s5 =	simm.s32 $_scs_section_size  }
0x9b: {  	s6 =	simm.s32 $_size__tile_overlayer_lowered;
	s7 =	simm.s32 $_tile_overlayer_lowered  }
0x9c: {  	s23 =	simm.s32 $0x1BFF;
	s22 =	sshll.u32 s7, $0x1;
	s4 =	sadd.s32 s5, s20  }
0x9d: {  	s8 =	simm.s32 $0x0;
	s21 =	sshll.u32 s6, $0x1;
	s6 =	sadd.s32 s22, s4  }
0x9e: {  	[timem:s8], [sflag:s23] =	dma.local [hbm:s6], s21  }
0x9f: {  	_ =	swait.ge [sflag:s23], s21  }
0xa0: {  	s5 =	ssub.s32 $0x0, s21;
	[sflag:s23] =	ssyncset.done $0x0  }
0xa1: {  	[sflag:s23] =	ssyncadd.s32 s5;
	_ =	sdelay $0x1  }
0xa2: {  	s24 =	simm.s32 $0x1B8B  }
0xa3: {  	_ =	swait.ge [sflag:s24], $0x1  }
0xa4: {  	[sflag:s24] =	ssyncset.done $0x0  }
0xa5: {  	s25 =	simm.s32 $0x1B8E;
	[sflag:s24] =	ssyncadd.s32 $0xFFFFFFFF  }
0xa6: {  	s26 =	simm.s32 $execute0_lowered;
	[smem:$0x3FD2] =	sst s25  }
0xa7: {  	s5 =	sshll.u32 s26, $0x1;
	_ =	strace $0x80000046;
	[dreg:$0x1] =	wrdreg $0xFFFFFFFF  }
0xa8: {  	s28 =	simm.s32 $_size_execute0_lowered;
	s4 =	sadd.s32 s4, s5;
	[dreg:$0x0] =	wrdreg $0x0  }
0xa9: {  	s5 =	sshll.u32 s28, $0x1;
	[dreg:$0x2] =	wrdreg s4  }
0xaa: {  	[dreg:$0x3] =	wrdreg s5  }
0xab: {  	[dreg:$0x4] =	wrdreg $0xC0  }
0xac: {  	_ =	task [dreg:s8], $0x5FFFF  }
0xad: {  	[dreg:$0x1] =	wrdreg $0xFFFFFFFF  }
0xae: {  	[dreg:$0x0] =	wrdreg $0x60  }
0xaf: {  	[dreg:$0x2] =	wrdreg s2  }
0xb0: {  	[dreg:$0x3] =	wrdreg s19  }
0xb1: {  	[dreg:$0x4] =	wrdreg $0x9  }
0xb2: {  	_ =	task.clear_ibuf [dreg:s8], $0x5FFFF;
	_ =	strace $0x90000046  }
0xb3: {  	s29 =	simm.s32 $0x9;
	_ =	strace $0x80000048  }
0xb4: {  	_ =	swait.ge [sflag:s29], $0x1  }
0xb5: {  	[sflag:s29] =	ssyncadd.s32 $0xFFFFFFFF  }
0xb6: {  	_ =	strace $0x90000048  }
0xb7: {  	_ =	sfence  }
0xb8: {  	s30 =	sld [smem:$0x0];
	_ =	sdelay $0x2  }
0xb9: {  	s31 =	sshll.u32 s1, $0xD;
	s1 =	sshrl.u32 s1, $0x2  }
0xba: {  	s3 =	sand.u32 $0x4000, s31;
	s1 =	sadd.s32 s1, s30  }
0xbb: {  	s0 =	sor.u32 s3, s0;
	s1 =	sshll.u32 s1, $0x11  }
0xbc: {  	s0 =	sor.u32 s1, s0  }
0xbd: {  	s0 =	sadd.s32 $0x8F2B, s0  }
0xbe: {  	[sflag:s0] =	ssyncadd.remote.s32 $0x1  }
0xbf: {  	_ =	sfence.sel $0xFFFF  }
0xc0: {  	[dreg:$0x0] =	wrdreg $0xFFFFFFFF;
	(pc) =	sbr.abs _section_cstart, $3  }
0xc1: {  	[dreg:$0x1] =	wrdreg $0xFFFFFFFF  }
0xc2: {  	_ =	task.clear_ibuf [dreg:s8], $0x2FFFF;
	_ =	strace $0x9FFFFFFF  }
0xc3: {  	(tm) =	ssettm $0x7FFFFFFF  }
tec
execute0_lowered:
.L_overlay_start_1:
0x0: {  	(tag) =	ssettag $0x1  }
0x1: {  	s1 =	srdreg.scid  }
0x2: {  	s0 =	stileid.u32;
	s1 =	sand.u32 $0x1, s1  }
0x3: {  	s4 =	sshll.u32 s0, $0x13;
	s2 =	sshll.u32 s1, $0x17  }
0x4: {  	s4 =	sor.u32 s4, s2  }
0x5: {  	s3 =	rddreg [dreg:$0x0];
	s4 =	sshrl.u32 s4, $0x3  }
0x6: {  	s5 =	rddreg [dreg:$0x1];
	s2 =	simm.s32 $0x0;
	s28 =	sadd.s32 s4, s3  }
0x7: {  	[smem:$0x7FF] =	sst s2;
	s3 =	sadd.s32 $0x200000, s28  }
0x8: {  	_ =	strace $0x80000047;
	s8 =	sadd.s32 $0x201000, s28;
	[dreg:$0x3] =	wrdreg s3  }
0x9: {  	s31 =	sadd.s32 s5, s4;
	s9 =	sadd.s32 $0x202000, s28;
	[dreg:$0x4] =	wrdreg s8  }
0xa: {  	s10 =	sadd.s32 $0x100000, s31;
	[dreg:$0x5] =	wrdreg s9  }
0xb: {  	s11 =	sadd.s32 $0x203000, s28;
	[dreg:$0x6] =	wrdreg s10  }
0xc: {  	s12 =	sadd.s32 $0x101000, s31;
	[dreg:$0x7] =	wrdreg s11  }
0xd: {  	s13 =	sadd.s32 $0x204000, s28;
	[dreg:$0x8] =	wrdreg s12  }
0xe: {  	s14 =	sadd.s32 $0x102000, s31;
	[dreg:$0x9] =	wrdreg s13  }
0xf: {  	s15 =	sadd.s32 $0x205000, s28;
	[dreg:$0xa] =	wrdreg s14  }
0x10: {  	s16 =	sadd.s32 $0x103000, s31;
	[dreg:$0xb] =	wrdreg s15  }
0x11: {  	s17 =	sadd.s32 $0x206000, s28;
	[dreg:$0xc] =	wrdreg s16  }
0x12: {  	s20 =	sadd.s32 $0x104000, s31;
	[dreg:$0xd] =	wrdreg s17  }
0x13: {  	[dreg:$0xe] =	wrdreg s20  }
0x14: {  	s18 =	rddreg [dreg:$0x3]  }
0x15: {  	[tilespmem:s2], [sflag:$0x1] =	stream.linear.gather [hbm4b:s18+s2], $0x8000, $0x38;
	[tilespmem:$0x18000] =	vst v63  }
0x16: {  	s3 =	simm.s32 $0x8000;
	s19 =	rddreg [dreg:$0x4]  }
0x17: {  	[tilespmem:s3], [sflag:$0x2] =	stream.linear.gather [hbm4b:s19+s2], $0x8000, $0x38;
	[tilespmem:$0x18000] =	vst v63  }
0x18: {  	s4 =	simm.s32 $0x10000;
	s5 =	simm.s32 $0x1;
	s6 =	rddreg [dreg:$0x5]  }
0x19: {  	[tilespmem:s4], [sflag:$0x3] =	stream.linear.gather [hbm4b:s6+s2], $0x8000, $0x38;
	[tilespmem:$0x18000] =	vst v63  }
0x1a: {  	_ =	swait.ge [sflag:s5], $0x8000  }
0x1b: {  	[sflag:s5] =	ssyncset.done $0x0  }
0x1c: {  	s6 =	simm.s32 $0x4;
	s7 =	rddreg [dreg:$0x6];
	[sflag:s5] =	ssyncadd.s32 $0xFFFF8000  }
0x1d: {  	[hbm4b:s7+s2] =	stream.linear.scatter [tilespmem:s2], [sflag:$0x4], $0x8000, $0x38;
	[tilespmem:$0x18000] =	vst v63  }
0x1e: {  	_ =	swait.ge [sflag:s6], $0x8000  }
0x1f: {  	[sflag:s6] =	ssyncset.done $0x0  }
0x20: {  	s7 =	simm.s32 $0x2;
	s8 =	rddreg [dreg:$0x7];
	[sflag:s6] =	ssyncadd.s32 $0xFFFF8000  }
0x21: {  	[tilespmem:s2], [sflag:$0x1] =	stream.linear.gather [hbm4b:s8+s2], $0x8000, $0x38;
	[tilespmem:$0x18000] =	vst v63  }
0x22: {  	_ =	swait.ge [sflag:s7], $0x8000  }
0x23: {  	[sflag:s7] =	ssyncset.done $0x0  }
0x24: {  	s8 =	simm.s32 $0x5;
	s9 =	rddreg [dreg:$0x8];
	[sflag:s7] =	ssyncadd.s32 $0xFFFF8000  }
0x25: {  	[hbm4b:s9+s2] =	stream.linear.scatter [tilespmem:s3], [sflag:$0x5], $0x8000, $0x38;
	[tilespmem:$0x18000] =	vst v63  }
0x26: {  	_ =	swait.ge [sflag:s8], $0x8000  }
0x27: {  	[sflag:s8] =	ssyncset.done $0x0  }
0x28: {  	s9 =	simm.s32 $0x3;
	s10 =	rddreg [dreg:$0x9];
	[sflag:s8] =	ssyncadd.s32 $0xFFFF8000  }
0x29: {  	[tilespmem:s3], [sflag:$0x2] =	stream.linear.gather [hbm4b:s10+s2], $0x8000, $0x38;
	[tilespmem:$0x18000] =	vst v63  }
0x2a: {  	_ =	swait.ge [sflag:s9], $0x8000  }
0x2b: {  	[sflag:s9] =	ssyncset.done $0x0  }
0x2c: {  	s10 =	simm.s32 $0x6;
	s11 =	rddreg [dreg:$0xa];
	[sflag:s9] =	ssyncadd.s32 $0xFFFF8000  }
0x2d: {  	[hbm4b:s11+s2] =	stream.linear.scatter [tilespmem:s4], [sflag:$0x6], $0x8000, $0x38;
	[tilespmem:$0x18000] =	vst v63  }
0x2e: {  	_ =	swait.ge [sflag:s10], $0x8000  }
0x2f: {  	[sflag:s10] =	ssyncset.done $0x0  }
0x30: {  	s21 =	rddreg [dreg:$0xb];
	[sflag:s10] =	ssyncadd.s32 $0xFFFF8000  }
0x31: {  	[tilespmem:s4], [sflag:$0x3] =	stream.linear.gather [hbm4b:s21+s2], $0x8000, $0x38;
	[tilespmem:$0x18000] =	vst v63  }
0x32: {  	_ =	swait.ge [sflag:s5], $0x8000  }
0x33: {  	[sflag:s5] =	ssyncset.done $0x0  }
0x34: {  	s22 =	rddreg [dreg:$0xc];
	[sflag:s5] =	ssyncadd.s32 $0xFFFF8000  }
0x35: {  	[hbm4b:s22+s2] =	stream.linear.scatter [tilespmem:s2], [sflag:$0x4], $0x8000, $0x38;
	[tilespmem:$0x18000] =	vst v63  }
0x36: {  	_ =	swait.ge [sflag:s6], $0x8000  }
0x37: {  	[sflag:s6] =	ssyncset.done $0x0  }
0x38: {  	s23 =	rddreg [dreg:$0xd];
	[sflag:s6] =	ssyncadd.s32 $0xFFFF8000  }
0x39: {  	[tilespmem:s2], [sflag:$0x1] =	stream.linear.gather [hbm4b:s23+s2], $0x8000, $0x38;
	[tilespmem:$0x18000] =	vst v63  }
0x3a: {  	_ =	swait.ge [sflag:s7], $0x8000  }
0x3b: {  	[sflag:s7] =	ssyncset.done $0x0  }
0x3c: {  	s24 =	rddreg [dreg:$0xe];
	[sflag:s7] =	ssyncadd.s32 $0xFFFF8000  }
0x3d: {  	[hbm4b:s24+s2] =	stream.linear.scatter [tilespmem:s3], [sflag:$0x5], $0x8000, $0x38;
	[tilespmem:$0x18000] =	vst v63  }
0x3e: {  	_ =	swait.ge [sflag:s8], $0x8000  }
0x3f: {  	s25 =	sadd.s32 $0x207000, s28;
	[sflag:s8] =	ssyncset.done $0x0  }
0x40: {  	[dreg:$0xf] =	wrdreg s25;
	[sflag:s8] =	ssyncadd.s32 $0xFFFF8000  }
0x41: {  	[tilespmem:s3], [sflag:$0x2] =	stream.linear.gather [hbm4b:s25+s2], $0x8000, $0x38;
	[tilespmem:$0x18000] =	vst v63  }
0x42: {  	_ =	swait.ge [sflag:s9], $0x8000  }
0x43: {  	[sflag:s9] =	ssyncset.done $0x0  }
0x44: {  	s26 =	sadd.s32 $0x105000, s31;
	[sflag:s9] =	ssyncadd.s32 $0xFFFF8000  }
0x45: {  	[hbm4b:s26+s2] =	stream.linear.scatter [tilespmem:s4], [sflag:$0x6], $0x8000, $0x38;
	[tilespmem:$0x18000] =	vst v63  }
0x46: {  	_ =	swait.ge [sflag:s10], $0x8000  }
0x47: {  	[sflag:s10] =	ssyncset.done $0x0  }
0x48: {  	s13 =	sadd.s32 $0x208000, s28;
	[sflag:s10] =	ssyncadd.s32 $0xFFFF8000  }
0x49: {  	[tilespmem:s4], [sflag:$0x3] =	stream.linear.gather [hbm4b:s13+s2], $0x8000, $0x38;
	[tilespmem:$0x18000] =	vst v63  }
0x4a: {  	_ =	swait.ge [sflag:s5], $0x8000  }
0x4b: {  	[sflag:s5] =	ssyncset.done $0x0  }
0x4c: {  	s14 =	sadd.s32 $0x106000, s31;
	[sflag:s5] =	ssyncadd.s32 $0xFFFF8000  }
0x4d: {  	[hbm4b:s14+s2] =	stream.linear.scatter [tilespmem:s2], [sflag:$0x4], $0x8000, $0x38;
	[tilespmem:$0x18000] =	vst v63  }
0x4e: {  	_ =	swait.ge [sflag:s6], $0x8000  }
0x4f: {  	[sflag:s6] =	ssyncset.done $0x0  }
0x50: {  	s15 =	sadd.s32 $0x209000, s28;
	[sflag:s6] =	ssyncadd.s32 $0xFFFF8000  }
0x51: {  	[tilespmem:s2], [sflag:$0x1] =	stream.linear.gather [hbm4b:s15+s2], $0x8000, $0x38;
	[tilespmem:$0x18000] =	vst v63  }
0x52: {  	_ =	swait.ge [sflag:s7], $0x8000  }
0x53: {  	[sflag:s7] =	ssyncset.done $0x0  }
0x54: {  	s16 =	sadd.s32 $0x107000, s31;
	[sflag:s7] =	ssyncadd.s32 $0xFFFF8000  }
0x55: {  	[hbm4b:s16+s2] =	stream.linear.scatter [tilespmem:s3], [sflag:$0x5], $0x8000, $0x38;
	[tilespmem:$0x18000] =	vst v63  }
0x56: {  	_ =	swait.ge [sflag:s8], $0x8000  }
0x57: {  	[sflag:s8] =	ssyncset.done $0x0  }
0x58: {  	s17 =	sadd.s32 $0x20A000, s28;
	[sflag:s8] =	ssyncadd.s32 $0xFFFF8000  }
0x59: {  	[tilespmem:s3], [sflag:$0x2] =	stream.linear.gather [hbm4b:s17+s2], $0x8000, $0x38;
	[tilespmem:$0x18000] =	vst v63  }
0x5a: {  	_ =	swait.ge [sflag:s9], $0x8000  }
0x5b: {  	[sflag:s9] =	ssyncset.done $0x0  }
0x5c: {  	s18 =	sadd.s32 $0x108000, s31;
	[sflag:s9] =	ssyncadd.s32 $0xFFFF8000  }
0x5d: {  	[hbm4b:s18+s2] =	stream.linear.scatter [tilespmem:s4], [sflag:$0x6], $0x8000, $0x38;
	[tilespmem:$0x18000] =	vst v63  }
0x5e: {  	_ =	swait.ge [sflag:s10], $0x8000  }
0x5f: {  	[sflag:s10] =	ssyncset.done $0x0  }
0x60: {  	s19 =	sadd.s32 $0x20B000, s28;
	[sflag:s10] =	ssyncadd.s32 $0xFFFF8000  }
0x61: {  	[tilespmem:s4], [sflag:$0x3] =	stream.linear.gather [hbm4b:s19+s2], $0x8000, $0x38;
	[tilespmem:$0x18000] =	vst v63  }
0x62: {  	_ =	swait.ge [sflag:s5], $0x8000  }
0x63: {  	[sflag:s5] =	ssyncset.done $0x0  }
0x64: {  	s20 =	sadd.s32 $0x109000, s31;
	[sflag:s5] =	ssyncadd.s32 $0xFFFF8000  }
0x65: {  	[hbm4b:s20+s2] =	stream.linear.scatter [tilespmem:s2], [sflag:$0x4], $0x8000, $0x38;
	[tilespmem:$0x18000] =	vst v63  }
0x66: {  	_ =	swait.ge [sflag:s6], $0x8000  }
0x67: {  	[sflag:s6] =	ssyncset.done $0x0  }
0x68: {  	s21 =	sadd.s32 $0x20C000, s28;
	[sflag:s6] =	ssyncadd.s32 $0xFFFF8000  }
0x69: {  	[tilespmem:s2], [sflag:$0x1] =	stream.linear.gather [hbm4b:s21+s2], $0x8000, $0x38;
	[tilespmem:$0x18000] =	vst v63  }
0x6a: {  	_ =	swait.ge [sflag:s7], $0x8000  }
0x6b: {  	[sflag:s7] =	ssyncset.done $0x0  }
0x6c: {  	s22 =	sadd.s32 $0x10A000, s31;
	[sflag:s7] =	ssyncadd.s32 $0xFFFF8000  }
0x6d: {  	[hbm4b:s22+s2] =	stream.linear.scatter [tilespmem:s3], [sflag:$0x5], $0x8000, $0x38;
	[tilespmem:$0x18000] =	vst v63  }
0x6e: {  	_ =	swait.ge [sflag:s8], $0x8000  }
0x6f: {  	[sflag:s8] =	ssyncset.done $0x0  }
0x70: {  	s23 =	sadd.s32 $0x20D000, s28;
	[sflag:s8] =	ssyncadd.s32 $0xFFFF8000  }
0x71: {  	[tilespmem:s3], [sflag:$0x2] =	stream.linear.gather [hbm4b:s23+s2], $0x8000, $0x38;
	[tilespmem:$0x18000] =	vst v63  }
0x72: {  	_ =	swait.ge [sflag:s9], $0x8000  }
0x73: {  	[sflag:s9] =	ssyncset.done $0x0  }
0x74: {  	s24 =	sadd.s32 $0x10B000, s31;
	[sflag:s9] =	ssyncadd.s32 $0xFFFF8000  }
0x75: {  	[hbm4b:s24+s2] =	stream.linear.scatter [tilespmem:s4], [sflag:$0x6], $0x8000, $0x38;
	[tilespmem:$0x18000] =	vst v63  }
0x76: {  	_ =	swait.ge [sflag:s10], $0x8000  }
0x77: {  	[sflag:s10] =	ssyncset.done $0x0  }
0x78: {  	s25 =	sadd.s32 $0x20E000, s28;
	[sflag:s10] =	ssyncadd.s32 $0xFFFF8000  }
0x79: {  	[tilespmem:s4], [sflag:$0x3] =	stream.linear.gather [hbm4b:s25+s2], $0x8000, $0x38;
	[tilespmem:$0x18000] =	vst v63  }
0x7a: {  	_ =	swait.ge [sflag:s5], $0x8000  }
0x7b: {  	[sflag:s5] =	ssyncset.done $0x0  }
0x7c: {  	s12 =	smov.u32 s26;
	s26 =	sadd.s32 $0x10C000, s31;
	[sflag:s5] =	ssyncadd.s32 $0xFFFF8000  }
0x7d: {  	[hbm4b:s26+s2] =	stream.linear.scatter [tilespmem:s2], [sflag:$0x4], $0x8000, $0x38;
	[tilespmem:$0x18000] =	vst v63  }
0x7e: {  	_ =	swait.ge [sflag:s6], $0x8000  }
0x7f: {  	[sflag:s6] =	ssyncset.done $0x0  }
0x80: {  	s28 =	sadd.s32 $0x20F000, s28;
	[sflag:s6] =	ssyncadd.s32 $0xFFFF8000  }
0x81: {  	[tilespmem:s2], [sflag:$0x1] =	stream.linear.gather [hbm4b:s28+s2], $0x8000, $0x38;
	[tilespmem:$0x18000] =	vst v63  }
0x82: {  	_ =	swait.ge [sflag:s7], $0x8000  }
0x83: {  	[sflag:s7] =	ssyncset.done $0x0  }
0x84: {  	s29 =	sadd.s32 $0x10D000, s31;
	[sflag:s7] =	ssyncadd.s32 $0xFFFF8000  }
0x85: {  	[hbm4b:s29+s2] =	stream.linear.scatter [tilespmem:s3], [sflag:$0x5], $0x8000, $0x38;
	[tilespmem:$0x18000] =	vst v63  }
0x86: {  	_ =	swait.ge [sflag:s9], $0x8000  }
0x87: {  	[sflag:s9] =	ssyncset.done $0x0  }
0x88: {  	s30 =	sadd.s32 $0x10E000, s31;
	[sflag:s9] =	ssyncadd.s32 $0xFFFF8000  }
0x89: {  	[hbm4b:s30+s2] =	stream.linear.scatter [tilespmem:s4], [sflag:$0x6], $0x8000, $0x38;
	[tilespmem:$0x18000] =	vst v63  }
0x8a: {  	s1 =	ssub.s32 $0x2, s1;
	_ =	swait.ge [sflag:s5], $0x8000  }
0x8b: {  	s11 =	sshrl.u32 s1, $0x1;
	[sflag:s5] =	ssyncset.done $0x0  }
0x8c: {  	s0 =	ssub.s32 s1, s11;
	s31 =	sadd.s32 $0x10F000, s31;
	[sflag:s5] =	ssyncadd.s32 $0xFFFF8000  }
0x8d: {  	[hbm4b:s31+s2] =	stream.linear.scatter [tilespmem:s2], [sflag:$0x4], $0x8000, $0x38;
	[tilespmem:$0x18000] =	vst v63  }
0x8e: {  	s0 =	smax.u32 s0, $0x1;
	_ =	swait.ge [sflag:s8], $0x8000  }
0x8f: {  	p0 =	sne.s32 s0, $0x1;
	[sflag:s8] =	ssyncset.done $0x0  }
.Ltmp0:
0x90: {  	[sflag:s8] =	ssyncadd.s32 $0xFFFF8000;
	(pc) =	sbr.rel @!p0 .LBB2_2-.Ltmp0, $4  }
0x91: {  	_ =	swait.ge [sflag:s10], $0x8000  }
0x92: {  	[sflag:s10] =	ssyncset.done $0x0  }
0x93: {  	[sflag:s10] =	ssyncadd.s32 $0xFFFF8000  }
0x94: {  	s1 =	sadd.s32 $0xFFFFFFFF, s0;
	_ =	swait.ge [sflag:s6], $0x8000  }
.LBB2_1:
0x95: {  	[sflag:s6] =	ssyncset.done $0x0  }
0x96: {  	s0 =	rddreg [dreg:$0x3];
	[sflag:s6] =	ssyncadd.s32 $0xFFFF8000  }
0x97: {  	[tilespmem:s2], [sflag:$0x1] =	stream.linear.gather [hbm4b:s0+s2], $0x8000, $0x38;
	[tilespmem:$0x18000] =	vst v63  }
0x98: {  	s11 =	rddreg [dreg:$0x4]  }
0x99: {  	[tilespmem:s3], [sflag:$0x2] =	stream.linear.gather [hbm4b:s11+s2], $0x8000, $0x38;
	[tilespmem:$0x18000] =	vst v63  }
0x9a: {  	s0 =	rddreg [dreg:$0x5]  }
0x9b: {  	[tilespmem:s4], [sflag:$0x3] =	stream.linear.gather [hbm4b:s0+s2], $0x8000, $0x38;
	[tilespmem:$0x18000] =	vst v63  }
0x9c: {  	_ =	swait.ge [sflag:s5], $0x8000  }
0x9d: {  	[sflag:s5] =	ssyncset.done $0x0  }
0x9e: {  	s11 =	rddreg [dreg:$0x6];
	[sflag:s5] =	ssyncadd.s32 $0xFFFF8000  }
0x9f: {  	[hbm4b:s11+s2] =	stream.linear.scatter [tilespmem:s2], [sflag:$0x4], $0x8000, $0x38;
	[tilespmem:$0x18000] =	vst v63  }
0xa0: {  	_ =	swait.ge [sflag:s6], $0x8000  }
0xa1: {  	[sflag:s6] =	ssyncset.done $0x0  }
0xa2: {  	s11 =	rddreg [dreg:$0x7];
	[sflag:s6] =	ssyncadd.s32 $0xFFFF8000  }
0xa3: {  	[tilespmem:s2], [sflag:$0x1] =	stream.linear.gather [hbm4b:s11+s2], $0x8000, $0x38;
	[tilespmem:$0x18000] =	vst v63  }
0xa4: {  	_ =	swait.ge [sflag:s7], $0x8000  }
0xa5: {  	[sflag:s7] =	ssyncset.done $0x0  }
0xa6: {  	s11 =	rddreg [dreg:$0x8];
	[sflag:s7] =	ssyncadd.s32 $0xFFFF8000  }
0xa7: {  	[hbm4b:s11+s2] =	stream.linear.scatter [tilespmem:s3], [sflag:$0x5], $0x8000, $0x38;
	[tilespmem:$0x18000] =	vst v63  }
0xa8: {  	_ =	swait.ge [sflag:s8], $0x8000  }
0xa9: {  	[sflag:s8] =	ssyncset.done $0x0  }
0xaa: {  	s11 =	rddreg [dreg:$0x9];
	[sflag:s8] =	ssyncadd.s32 $0xFFFF8000  }
0xab: {  	[tilespmem:s3], [sflag:$0x2] =	stream.linear.gather [hbm4b:s11+s2], $0x8000, $0x38;
	[tilespmem:$0x18000] =	vst v63  }
0xac: {  	_ =	swait.ge [sflag:s9], $0x8000  }
0xad: {  	[sflag:s9] =	ssyncset.done $0x0  }
0xae: {  	s11 =	rddreg [dreg:$0xa];
	[sflag:s9] =	ssyncadd.s32 $0xFFFF8000  }
0xaf: {  	[hbm4b:s11+s2] =	stream.linear.scatter [tilespmem:s4], [sflag:$0x6], $0x8000, $0x38;
	[tilespmem:$0x18000] =	vst v63  }
0xb0: {  	_ =	swait.ge [sflag:s10], $0x8000  }
0xb1: {  	[sflag:s10] =	ssyncset.done $0x0  }
0xb2: {  	s11 =	rddreg [dreg:$0xb];
	[sflag:s10] =	ssyncadd.s32 $0xFFFF8000  }
0xb3: {  	[tilespmem:s4], [sflag:$0x3] =	stream.linear.gather [hbm4b:s11+s2], $0x8000, $0x38;
	[tilespmem:$0x18000] =	vst v63  }
0xb4: {  	_ =	swait.ge [sflag:s5], $0x8000  }
0xb5: {  	[sflag:s5] =	ssyncset.done $0x0  }
0xb6: {  	s11 =	rddreg [dreg:$0xc];
	[sflag:s5] =	ssyncadd.s32 $0xFFFF8000  }
0xb7: {  	[hbm4b:s11+s2] =	stream.linear.scatter [tilespmem:s2], [sflag:$0x4], $0x8000, $0x38;
	[tilespmem:$0x18000] =	vst v63  }
0xb8: {  	_ =	swait.ge [sflag:s6], $0x8000  }
0xb9: {  	[sflag:s6] =	ssyncset.done $0x0  }
0xba: {  	s11 =	rddreg [dreg:$0xd];
	[sflag:s6] =	ssyncadd.s32 $0xFFFF8000  }
0xbb: {  	[tilespmem:s2], [sflag:$0x1] =	stream.linear.gather [hbm4b:s11+s2], $0x8000, $0x38;
	[tilespmem:$0x18000] =	vst v63  }
0xbc: {  	_ =	swait.ge [sflag:s7], $0x8000  }
0xbd: {  	[sflag:s7] =	ssyncset.done $0x0  }
0xbe: {  	s11 =	rddreg [dreg:$0xe];
	[sflag:s7] =	ssyncadd.s32 $0xFFFF8000  }
0xbf: {  	[hbm4b:s11+s2] =	stream.linear.scatter [tilespmem:s3], [sflag:$0x5], $0x8000, $0x38;
	[tilespmem:$0x18000] =	vst v63  }
0xc0: {  	_ =	swait.ge [sflag:s8], $0x8000  }
0xc1: {  	[sflag:s8] =	ssyncset.done $0x0  }
0xc2: {  	s11 =	rddreg [dreg:$0xf];
	[sflag:s8] =	ssyncadd.s32 $0xFFFF8000  }
0xc3: {  	[tilespmem:s3], [sflag:$0x2] =	stream.linear.gather [hbm4b:s11+s2], $0x8000, $0x38;
	[tilespmem:$0x18000] =	vst v63  }
0xc4: {  	_ =	swait.ge [sflag:s9], $0x8000  }
0xc5: {  	[sflag:s9] =	ssyncset.done $0x0  }
0xc6: {  	[sflag:s9] =	ssyncadd.s32 $0xFFFF8000  }
0xc7: {  	[hbm4b:s12+s2] =	stream.linear.scatter [tilespmem:s4], [sflag:$0x6], $0x8000, $0x38;
	[tilespmem:$0x18000] =	vst v63  }
0xc8: {  	_ =	swait.ge [sflag:s10], $0x8000  }
0xc9: {  	[sflag:s10] =	ssyncset.done $0x0  }
0xca: {  	[sflag:s10] =	ssyncadd.s32 $0xFFFF8000  }
0xcb: {  	[tilespmem:s4], [sflag:$0x3] =	stream.linear.gather [hbm4b:s13+s2], $0x8000, $0x38;
	[tilespmem:$0x18000] =	vst v63  }
0xcc: {  	_ =	swait.ge [sflag:s5], $0x8000  }
0xcd: {  	[sflag:s5] =	ssyncset.done $0x0  }
0xce: {  	[sflag:s5] =	ssyncadd.s32 $0xFFFF8000  }
0xcf: {  	[hbm4b:s14+s2] =	stream.linear.scatter [tilespmem:s2], [sflag:$0x4], $0x8000, $0x38;
	[tilespmem:$0x18000] =	vst v63  }
0xd0: {  	_ =	swait.ge [sflag:s6], $0x8000  }
0xd1: {  	[sflag:s6] =	ssyncset.done $0x0  }
0xd2: {  	[sflag:s6] =	ssyncadd.s32 $0xFFFF8000  }
0xd3: {  	[tilespmem:s2], [sflag:$0x1] =	stream.linear.gather [hbm4b:s15+s2], $0x8000, $0x38;
	[tilespmem:$0x18000] =	vst v63  }
0xd4: {  	_ =	swait.ge [sflag:s7], $0x8000  }
0xd5: {  	[sflag:s7] =	ssyncset.done $0x0  }
0xd6: {  	[sflag:s7] =	ssyncadd.s32 $0xFFFF8000  }
0xd7: {  	[hbm4b:s16+s2] =	stream.linear.scatter [tilespmem:s3], [sflag:$0x5], $0x8000, $0x38;
	[tilespmem:$0x18000] =	vst v63  }
0xd8: {  	_ =	swait.ge [sflag:s8], $0x8000  }
0xd9: {  	[sflag:s8] =	ssyncset.done $0x0  }
0xda: {  	[sflag:s8] =	ssyncadd.s32 $0xFFFF8000  }
0xdb: {  	[tilespmem:s3], [sflag:$0x2] =	stream.linear.gather [hbm4b:s17+s2], $0x8000, $0x38;
	[tilespmem:$0x18000] =	vst v63  }
0xdc: {  	_ =	swait.ge [sflag:s9], $0x8000  }
0xdd: {  	[sflag:s9] =	ssyncset.done $0x0  }
0xde: {  	[sflag:s9] =	ssyncadd.s32 $0xFFFF8000  }
0xdf: {  	[hbm4b:s18+s2] =	stream.linear.scatter [tilespmem:s4], [sflag:$0x6], $0x8000, $0x38;
	[tilespmem:$0x18000] =	vst v63  }
0xe0: {  	_ =	swait.ge [sflag:s10], $0x8000  }
0xe1: {  	[sflag:s10] =	ssyncset.done $0x0  }
0xe2: {  	[sflag:s10] =	ssyncadd.s32 $0xFFFF8000  }
0xe3: {  	[tilespmem:s4], [sflag:$0x3] =	stream.linear.gather [hbm4b:s19+s2], $0x8000, $0x38;
	[tilespmem:$0x18000] =	vst v63  }
0xe4: {  	_ =	swait.ge [sflag:s5], $0x8000  }
0xe5: {  	[sflag:s5] =	ssyncset.done $0x0  }
0xe6: {  	[sflag:s5] =	ssyncadd.s32 $0xFFFF8000  }
0xe7: {  	[hbm4b:s20+s2] =	stream.linear.scatter [tilespmem:s2], [sflag:$0x4], $0x8000, $0x38;
	[tilespmem:$0x18000] =	vst v63  }
0xe8: {  	_ =	swait.ge [sflag:s6], $0x8000  }
0xe9: {  	[sflag:s6] =	ssyncset.done $0x0  }
0xea: {  	[sflag:s6] =	ssyncadd.s32 $0xFFFF8000  }
0xeb: {  	[tilespmem:s2], [sflag:$0x1] =	stream.linear.gather [hbm4b:s21+s2], $0x8000, $0x38;
	[tilespmem:$0x18000] =	vst v63  }
0xec: {  	_ =	swait.ge [sflag:s7], $0x8000  }
0xed: {  	[sflag:s7] =	ssyncset.done $0x0  }
0xee: {  	[sflag:s7] =	ssyncadd.s32 $0xFFFF8000  }
0xef: {  	[hbm4b:s22+s2] =	stream.linear.scatter [tilespmem:s3], [sflag:$0x5], $0x8000, $0x38;
	[tilespmem:$0x18000] =	vst v63  }
0xf0: {  	_ =	swait.ge [sflag:s8], $0x8000  }
0xf1: {  	[sflag:s8] =	ssyncset.done $0x0  }
0xf2: {  	[sflag:s8] =	ssyncadd.s32 $0xFFFF8000  }
0xf3: {  	[tilespmem:s3], [sflag:$0x2] =	stream.linear.gather [hbm4b:s23+s2], $0x8000, $0x38;
	[tilespmem:$0x18000] =	vst v63  }
0xf4: {  	_ =	swait.ge [sflag:s9], $0x8000  }
0xf5: {  	[sflag:s9] =	ssyncset.done $0x0  }
0xf6: {  	[sflag:s9] =	ssyncadd.s32 $0xFFFF8000  }
0xf7: {  	[hbm4b:s24+s2] =	stream.linear.scatter [tilespmem:s4], [sflag:$0x6], $0x8000, $0x38;
	[tilespmem:$0x18000] =	vst v63  }
0xf8: {  	_ =	swait.ge [sflag:s10], $0x8000  }
0xf9: {  	[sflag:s10] =	ssyncset.done $0x0  }
0xfa: {  	[sflag:s10] =	ssyncadd.s32 $0xFFFF8000  }
0xfb: {  	[tilespmem:s4], [sflag:$0x3] =	stream.linear.gather [hbm4b:s25+s2], $0x8000, $0x38;
	[tilespmem:$0x18000] =	vst v63  }
0xfc: {  	_ =	swait.ge [sflag:s5], $0x8000  }
0xfd: {  	[sflag:s5] =	ssyncset.done $0x0  }
0xfe: {  	[sflag:s5] =	ssyncadd.s32 $0xFFFF8000  }
0xff: {  	[hbm4b:s26+s2] =	stream.linear.scatter [tilespmem:s2], [sflag:$0x4], $0x8000, $0x38;
	[tilespmem:$0x18000] =	vst v63  }
0x100: {  	_ =	swait.ge [sflag:s6], $0x8000  }
0x101: {  	[sflag:s6] =	ssyncset.done $0x0  }
0x102: {  	[sflag:s6] =	ssyncadd.s32 $0xFFFF8000  }
0x103: {  	[tilespmem:s2], [sflag:$0x1] =	stream.linear.gather [hbm4b:s28+s2], $0x8000, $0x38;
	[tilespmem:$0x18000] =	vst v63  }
0x104: {  	_ =	swait.ge [sflag:s7], $0x8000  }
0x105: {  	[sflag:s7] =	ssyncset.done $0x0  }
0x106: {  	[sflag:s7] =	ssyncadd.s32 $0xFFFF8000  }
0x107: {  	[hbm4b:s29+s2] =	stream.linear.scatter [tilespmem:s3], [sflag:$0x5], $0x8000, $0x38;
	[tilespmem:$0x18000] =	vst v63  }
0x108: {  	_ =	swait.ge [sflag:s9], $0x8000  }
0x109: {  	[sflag:s9] =	ssyncset.done $0x0  }
0x10a: {  	[sflag:s9] =	ssyncadd.s32 $0xFFFF8000  }
0x10b: {  	[hbm4b:s30+s2] =	stream.linear.scatter [tilespmem:s4], [sflag:$0x6], $0x8000, $0x38;
	[tilespmem:$0x18000] =	vst v63  }
0x10c: {  	_ =	swait.ge [sflag:s5], $0x8000  }
0x10d: {  	[sflag:s5] =	ssyncset.done $0x0  }
0x10e: {  	[sflag:s5] =	ssyncadd.s32 $0xFFFF8000  }
0x10f: {  	[hbm4b:s31+s2] =	stream.linear.scatter [tilespmem:s2], [sflag:$0x4], $0x8000, $0x38;
	[tilespmem:$0x18000] =	vst v63  }
0x110: {  	_ =	swait.ge [sflag:s8], $0x8000  }
0x111: {  	p0 =	sne.s32 s1, $0x1;
	[sflag:s8] =	ssyncset.done $0x0  }
.Ltmp1:
0x112: {  	[sflag:s8] =	ssyncadd.s32 $0xFFFF8000;
	(pc) =	sbr.rel @p0 .LBB2_1-.Ltmp1, $4  }
0x113: {  	_ =	swait.ge [sflag:s10], $0x8000  }
0x114: {  	[sflag:s10] =	ssyncset.done $0x0  }
0x115: {  	[sflag:s10] =	ssyncadd.s32 $0xFFFF8000  }
0x116: {  	s1 =	sadd.s32 $0xFFFFFFFF, s1;
	_ =	swait.ge [sflag:s6], $0x8000  }
.LBB2_2:
0x117: {  	[sflag:s6] =	ssyncset.done $0x0  }
0x118: {  	[sflag:s6] =	ssyncadd.s32 $0xFFFF8000  }
0x119: {  	_ =	sfence.sel $0x180000  }
0x11a: {  	[bflag:$0x0] =	sbarrier.arrive $0xFFFF  }
0x11b: {  	_ =	strace $0x90000047  }
0x11c: {  	s0 =	stileid.u32;
	[bflag:$0x2] =	sbarrier.arrive $0xFFFF  }
0x11d: {  	p0 =	sne.s32 s0, $0x0;
	s0 =	rddreg [dreg:$0x2]  }
0x11e: {  	s0 =	sadd.s32 @!p0 $0x100000, s0  }
0x11f: {  	[sflag:s0] =	ssyncadd.tile.s32 @!p0 $0x1;
	_ =	shalt  }
.Lfunc_end2:
_tile_overlayer_lowered:
.L_overlay_start_2:
0x120: {  	(tag) =	ssettag $0x2  }
0x121: {  	s0 =	rddreg [dreg:$0x0];
	s2 =	stileid.u32  }
0x122: {  	s1 =	rddreg [dreg:$0x1];
	p0 =	sne.s32 s2, $0x0  }
0x123: {  	s3 =	rddreg [dreg:$0x2];
	[bflag:$0x3] =	sbarrier.arrive $0xFFFF;
	s2 =	simm.s32 @!p0 $0x1C07  }
0x124: {  	[timem:s3], [sflag:s2] =	dma.local @!p0 [hbm:s0], s1  }
0x125: {  	s0 =	simm.s32 @!p0 $0x7  }
0x126: {  	_ =	swait.ge @!p0 [sflag:s0], s1  }
0x127: {  	s1 =	ssub.s32 @!p0 $0x0, s1;
	[sflag:s0] =	ssyncset.done @!p0 $0x0  }
0x128: {  	[sflag:s0] =	ssyncadd.s32 @!p0 s1  }
0x129: {  	[bflag:$0x3] =	sbarrier.arrive $0xFFFF  }
0x12a: {  	_ =	shalt  }

</sc_bundles>
